<compile_context>
chip_gen: v7x
topology: tpu7x:2x2x1
jax: 0.10.2.dev20260603
libtpu: 0.0.44.dev20260713+nightly
codegen_flags: <defaults>
</compile_context>

<pallas_src>
import functools

import jax
import jax.numpy as jnp
from jax import lax
from jax.experimental import pallas as pl
from jax.experimental.pallas import tpu as pltpu
from jax.experimental.pallas import tpu_sc as plsc


@functools.lru_cache(maxsize=None)
def _make_gather(V, D, S, B4):
    B = S * B4
    info = plsc.get_sparse_core_info()
    NC, NS = info.num_cores, info.num_subcores
    NW = NC * NS
    assert B % NW == 0
    b_per_w = B // NW
    CH = 16
    NBUF = 7
    GDEPTH = 5
    assert b_per_w % CH == 0
    n_chunks = b_per_w // CH
    HEAD = n_chunks % NBUF
    mesh = plsc.VectorSubcoreMesh(core_axis_name="c", subcore_axis_name="s")

    @functools.partial(
        pl.kernel,
        mesh=mesh,
        out_type=jax.ShapeDtypeStruct((S, B4, D), jnp.float32),
        scratch_types=[
            pltpu.VMEM((b_per_w,), jnp.int32),
        ]
        + [pltpu.VMEM((CH, D), jnp.float32)] * NBUF
        + [pltpu.SemaphoreType.DMA] * (2 * NBUF),
    )
    def k(idx_hbm, table_hbm, out3d, idx_v, *bufsem):
        bufs = bufsem[:NBUF]
        gs = bufsem[NBUF : 2 * NBUF]
        ss = bufsem[2 * NBUF :]
        out_hbm = out3d.reshape(B, D)
        wid = lax.axis_index("s") * NC + lax.axis_index("c")
        base = wid * b_per_w
        pltpu.sync_copy(idx_hbm.at[pl.ds(base, b_per_w)], idx_v)

        def start_g(c, j):
            off = pl.multiple_of(c * CH, 8)
            pltpu.async_copy(table_hbm.at[idx_v.at[pl.ds(off, CH)]], bufs[j], gs[j])

        def wait_g(j):
            pltpu.make_async_copy(
                table_hbm.at[idx_v.at[pl.ds(0, CH)]], bufs[j], gs[j]
            ).wait()

        def start_s(c, j):
            off = pl.multiple_of(c * CH, 8)
            pltpu.async_copy(bufs[j], out_hbm.at[pl.ds(base + off, CH)], ss[j])

        def wait_s(j):
            pltpu.make_async_copy(bufs[j], out_hbm.at[pl.ds(base, CH)], ss[j]).wait()

        for c0 in range(GDEPTH):
            start_g(c0, c0 % NBUF)

        def chunk_body(c, b):
            wait_g(b)
            start_s(c, b)
            bn = (b + GDEPTH) % NBUF
            if isinstance(c, int):
                if c >= NBUF - GDEPTH:
                    wait_s(bn)
                if c + GDEPTH < n_chunks:
                    start_g(c + GDEPTH, bn)
            else:
                pl.when(c >= NBUF - GDEPTH)(lambda: wait_s(bn))
                pl.when(c + GDEPTH < n_chunks)(lambda: start_g(c + GDEPTH, bn))

        for c0 in range(HEAD):
            chunk_body(c0, c0 % NBUF)

        def body(g, carry):
            for j in range(NBUF):
                chunk_body(HEAD + g * NBUF + j, (HEAD + j) % NBUF)
            return carry

        lax.fori_loop(0, (n_chunks - HEAD) // NBUF, body, 0)
        for c in range(n_chunks - (NBUF - GDEPTH), n_chunks):
            wait_s(c % NBUF)

    return k


def kernel(i, encoding):
    s, b = i.shape
    V, D = encoding.shape
    flat = i.reshape(-1).astype(jnp.int32)
    return _make_gather(V, D, s, b)(flat, encoding)

# --- scband reference (transcript-rebuilt; emitter-appended) ---
"""Pipeline reference for scband-learned-positional-encoding-23003844837473 (READ-ONLY COPY).

The authoritative reference and input builder live on the scoring server;
editing this copy changes nothing except your own understanding.
"""

import jax, jax.numpy as jnp
import numpy as np

CHANNELS = 1024
MAX_LENGTH = 8192

def setup_inputs(seed: int = 0) -> dict:
    key = jax.random.key(seed)
    k_i, k_enc = jax.random.split(key)
    i = jax.random.randint(k_i, (8192, 4), 0, MAX_LENGTH, dtype=jnp.int64)
    encoding = jax.random.normal(k_enc, (MAX_LENGTH, CHANNELS), dtype=jnp.float32) * 0.02
    return {"i": i, "encoding": encoding}

def reference(i, encoding):
    s, b = i.shape
    c = encoding.shape[-1]
    out = jnp.take(encoding, i.reshape(-1), axis=0)
    return out.reshape(s, b, c)

if __name__ == "__main__":
    import jax
    _d = setup_inputs()
    print(jax.jit(kernel)(*tuple(_d.values())))

</pallas_src>

<mosaic_0001>
#map = affine_map<(d0, d1) -> (0)>
#map1 = affine_map<(d0, d1) -> (0, 0)>
#map2 = affine_map<(d0, d1) -> (0, 0, 0)>
module attributes {stable_mosaic.version = 14 : i64} {
  func.func @k(%arg0: i32, %arg1: i32, %arg2: memref<32768xi32, #tpu.memory_space<hbm>>, %arg3: memref<8192x1024xf32, #tpu.memory_space<hbm>>, %arg4: memref<8192x4x1024xf32, #tpu.memory_space<hbm>>, %arg5: memref<1024xi32, #tpu.memory_space<vmem>>, %arg6: memref<16x1024xf32, #tpu.memory_space<vmem>>, %arg7: memref<16x1024xf32, #tpu.memory_space<vmem>>, %arg8: memref<16x1024xf32, #tpu.memory_space<vmem>>, %arg9: memref<16x1024xf32, #tpu.memory_space<vmem>>, %arg10: memref<16x1024xf32, #tpu.memory_space<vmem>>, %arg11: memref<16x1024xf32, #tpu.memory_space<vmem>>, %arg12: memref<16x1024xf32, #tpu.memory_space<vmem>>, %arg13: memref<!tpu.dma_semaphore, #tpu.memory_space<semaphore_mem>>, %arg14: memref<!tpu.dma_semaphore, #tpu.memory_space<semaphore_mem>>, %arg15: memref<!tpu.dma_semaphore, #tpu.memory_space<semaphore_mem>>, %arg16: memref<!tpu.dma_semaphore, #tpu.memory_space<semaphore_mem>>, %arg17: memref<!tpu.dma_semaphore, #tpu.memory_space<semaphore_mem>>, %arg18: memref<!tpu.dma_semaphore, #tpu.memory_space<semaphore_mem>>, %arg19: memref<!tpu.dma_semaphore, #tpu.memory_space<semaphore_mem>>, %arg20: memref<!tpu.dma_semaphore, #tpu.memory_space<semaphore_mem>>, %arg21: memref<!tpu.dma_semaphore, #tpu.memory_space<semaphore_mem>>, %arg22: memref<!tpu.dma_semaphore, #tpu.memory_space<semaphore_mem>>, %arg23: memref<!tpu.dma_semaphore, #tpu.memory_space<semaphore_mem>>, %arg24: memref<!tpu.dma_semaphore, #tpu.memory_space<semaphore_mem>>, %arg25: memref<!tpu.dma_semaphore, #tpu.memory_space<semaphore_mem>>, %arg26: memref<!tpu.dma_semaphore, #tpu.memory_space<semaphore_mem>>) attributes {dimension_semantics = [#tpu.dimension_semantics<core_parallel>, #tpu.dimension_semantics<subcore_parallel>], iteration_bounds = array<i64: 2, 16>, scalar_prefetch = 0 : i64, scratch_operands = 22 : i64, tpu.core_type = #tpu.core_type<sc_vector_subcore>, window_params = [{transform_indices = #map}, {transform_indices = #map1}, {transform_indices = #map2}]} {
    %mul3A = arith.constant 2 : i32
    %mul3A_0 = arith.muli %arg1, %mul3A : i32
    %add3A = arith.addi %mul3A_0, %arg0 : i32
    %mul3A_1 = arith.constant 1024 : i32
    %mul3A_2 = arith.muli %add3A, %mul3A_1 : i32
    "tpu.region"() ({
      %run_scoped3A = tpu.sem_alloc : memref<!tpu.dma_semaphore, #tpu.memory_space<semaphore_mem>>
      %dma_start3A_67 = tpu.memref_slice %arg2[%mul3A_2] : memref<32768xi32, #tpu.memory_space<hbm>> -> memref<1024xi32, #tpu.memory_space<hbm>>
      %dma_start3A_68 = tpu.memref_slice %arg2[%mul3A_2] : memref<32768xi32, #tpu.memory_space<hbm>> -> memref<1024xi32, #tpu.memory_space<hbm>>
      tpu.enqueue_dma source(%dma_start3A_68 : memref<1024xi32, #tpu.memory_space<hbm>>) target(%arg5 : memref<1024xi32, #tpu.memory_space<vmem>>) target_semaphore(%run_scoped3A : memref<!tpu.dma_semaphore, #tpu.memory_space<semaphore_mem>>)
      %dma_wait3A_69 = tpu.memref_slice %arg2[%mul3A_2] : memref<32768xi32, #tpu.memory_space<hbm>> -> memref<1024xi32, #tpu.memory_space<hbm>>
      %dma_wait3A_70 = tpu.memref_slice %arg2[%mul3A_2] : memref<32768xi32, #tpu.memory_space<hbm>> -> memref<1024xi32, #tpu.memory_space<hbm>>
      tpu.wait_dma2 semaphore(%run_scoped3A : memref<!tpu.dma_semaphore, #tpu.memory_space<semaphore_mem>>) src(%dma_wait3A_70 : memref<1024xi32, #tpu.memory_space<hbm>>) dst(%arg5 : memref<1024xi32, #tpu.memory_space<vmem>>)
      tpu.yield
    }) : () -> ()
    %multiple_of3A = arith.constant 0 : i32
    %multiple_of3A_3 = tpu.assume_multiple %multiple_of3A, 8 : i32
    %dma_start3A = tpu.memref_slice %arg5[%multiple_of3A_3] : memref<1024xi32, #tpu.memory_space<vmem>> -> memref<16xi32, #tpu.memory_space<vmem>>
    %dma_start3A_4 = arith.constant 0 : i32
    %dma_start3A_5 = arith.constant 0 : i32
    %dma_start3A_6 = tpu.memref_slice %arg3[%dma_start3A_4, %dma_start3A_5] : memref<8192x1024xf32, #tpu.memory_space<hbm>> -> memref<8192x1024xf32, #tpu.memory_space<hbm>>
    tpu.enqueue_indirect_dma source(%dma_start3A_6 : memref<8192x1024xf32, #tpu.memory_space<hbm>>) target(%arg6 : memref<16x1024xf32, #tpu.memory_space<vmem>>) offsets(%dma_start3A : memref<16xi32, #tpu.memory_space<vmem>>) semaphore(%arg13 : memref<!tpu.dma_semaphore, #tpu.memory_space<semaphore_mem>>)
    %multiple_of3A_7 = arith.constant 16 : i32
    %multiple_of3A_8 = tpu.assume_multiple %multiple_of3A_7, 8 : i32
    %dma_start3A_9 = tpu.memref_slice %arg5[%multiple_of3A_8] : memref<1024xi32, #tpu.memory_space<vmem>> -> memref<16xi32, #tpu.memory_space<vmem>>
    %dma_start3A_10 = arith.constant 0 : i32
    %dma_start3A_11 = arith.constant 0 : i32
    %dma_start3A_12 = tpu.memref_slice %arg3[%dma_start3A_10, %dma_start3A_11] : memref<8192x1024xf32, #tpu.memory_space<hbm>> -> memref<8192x1024xf32, #tpu.memory_space<hbm>>
    tpu.enqueue_indirect_dma source(%dma_start3A_12 : memref<8192x1024xf32, #tpu.memory_space<hbm>>) target(%arg7 : memref<16x1024xf32, #tpu.memory_space<vmem>>) offsets(%dma_start3A_9 : memref<16xi32, #tpu.memory_space<vmem>>) semaphore(%arg14 : memref<!tpu.dma_semaphore, #tpu.memory_space<semaphore_mem>>)
    %multiple_of3A_13 = arith.constant 32 : i32
    %multiple_of3A_14 = tpu.assume_multiple %multiple_of3A_13, 8 : i32
    %dma_start3A_15 = tpu.memref_slice %arg5[%multiple_of3A_14] : memref<1024xi32, #tpu.memory_space<vmem>> -> memref<16xi32, #tpu.memory_space<vmem>>
    %dma_start3A_16 = arith.constant 0 : i32
    %dma_start3A_17 = arith.constant 0 : i32
    %dma_start3A_18 = tpu.memref_slice %arg3[%dma_start3A_16, %dma_start3A_17] : memref<8192x1024xf32, #tpu.memory_space<hbm>> -> memref<8192x1024xf32, #tpu.memory_space<hbm>>
    tpu.enqueue_indirect_dma source(%dma_start3A_18 : memref<8192x1024xf32, #tpu.memory_space<hbm>>) target(%arg8 : memref<16x1024xf32, #tpu.memory_space<vmem>>) offsets(%dma_start3A_15 : memref<16xi32, #tpu.memory_space<vmem>>) semaphore(%arg15 : memref<!tpu.dma_semaphore, #tpu.memory_space<semaphore_mem>>)
    %multiple_of3A_19 = arith.constant 48 : i32
    %multiple_of3A_20 = tpu.assume_multiple %multiple_of3A_19, 8 : i32
    %dma_start3A_21 = tpu.memref_slice %arg5[%multiple_of3A_20] : memref<1024xi32, #tpu.memory_space<vmem>> -> memref<16xi32, #tpu.memory_space<vmem>>
    %dma_start3A_22 = arith.constant 0 : i32
    %dma_start3A_23 = arith.constant 0 : i32
    %dma_start3A_24 = tpu.memref_slice %arg3[%dma_start3A_22, %dma_start3A_23] : memref<8192x1024xf32, #tpu.memory_space<hbm>> -> memref<8192x1024xf32, #tpu.memory_space<hbm>>
    tpu.enqueue_indirect_dma source(%dma_start3A_24 : memref<8192x1024xf32, #tpu.memory_space<hbm>>) target(%arg9 : memref<16x1024xf32, #tpu.memory_space<vmem>>) offsets(%dma_start3A_21 : memref<16xi32, #tpu.memory_space<vmem>>) semaphore(%arg16 : memref<!tpu.dma_semaphore, #tpu.memory_space<semaphore_mem>>)
    %multiple_of3A_25 = arith.constant 64 : i32
    %multiple_of3A_26 = tpu.assume_multiple %multiple_of3A_25, 8 : i32
    %dma_start3A_27 = tpu.memref_slice %arg5[%multiple_of3A_26] : memref<1024xi32, #tpu.memory_space<vmem>> -> memref<16xi32, #tpu.memory_space<vmem>>
    %dma_start3A_28 = arith.constant 0 : i32
    %dma_start3A_29 = arith.constant 0 : i32
    %dma_start3A_30 = tpu.memref_slice %arg3[%dma_start3A_28, %dma_start3A_29] : memref<8192x1024xf32, #tpu.memory_space<hbm>> -> memref<8192x1024xf32, #tpu.memory_space<hbm>>
    tpu.enqueue_indirect_dma source(%dma_start3A_30 : memref<8192x1024xf32, #tpu.memory_space<hbm>>) target(%arg10 : memref<16x1024xf32, #tpu.memory_space<vmem>>) offsets(%dma_start3A_27 : memref<16xi32, #tpu.memory_space<vmem>>) semaphore(%arg17 : memref<!tpu.dma_semaphore, #tpu.memory_space<semaphore_mem>>)
    %dma_wait3A = arith.constant 0 : i32
    %dma_wait3A_31 = tpu.memref_slice %arg5[%dma_wait3A] : memref<1024xi32, #tpu.memory_space<vmem>> -> memref<16xi32, #tpu.memory_space<vmem>>
    %dma_wait3A_32 = arith.constant 0 : i32
    %dma_wait3A_33 = arith.constant 0 : i32
    %dma_wait3A_34 = tpu.memref_slice %arg3[%dma_wait3A_32, %dma_wait3A_33] : memref<8192x1024xf32, #tpu.memory_space<hbm>> -> memref<8192x1024xf32, #tpu.memory_space<hbm>>
    tpu.wait_indirect_dma semaphore(%arg13 : memref<!tpu.dma_semaphore, #tpu.memory_space<semaphore_mem>>) src(%dma_wait3A_34 : memref<8192x1024xf32, #tpu.memory_space<hbm>>) dst(%arg6 : memref<16x1024xf32, #tpu.memory_space<vmem>>)
    %multiple_of3A_35 = arith.constant 0 : i32
    %multiple_of3A_36 = tpu.assume_multiple %multiple_of3A_35, 8 : i32
    %add3A_37 = arith.addi %mul3A_2, %multiple_of3A_36 : i32
    %dma_start3A_38 = tpu.memref_reshape %arg4 : memref<8192x4x1024xf32, #tpu.memory_space<hbm>> -> memref<32768x1024xf32, #tpu.memory_space<hbm>>
    %dma_start3A_39 = arith.constant 0 : i32
    %dma_start3A_40 = tpu.memref_slice %dma_start3A_38[%add3A_37, %dma_start3A_39] : memref<32768x1024xf32, #tpu.memory_space<hbm>> -> memref<16x1024xf32, #tpu.memory_space<hbm>>
    %dma_start3A_41 = tpu.memref_reshape %arg4 : memref<8192x4x1024xf32, #tpu.memory_space<hbm>> -> memref<32768x1024xf32, #tpu.memory_space<hbm>>
    %dma_start3A_42 = arith.constant 0 : i32
    %dma_start3A_43 = tpu.memref_slice %dma_start3A_41[%add3A_37, %dma_start3A_42] : memref<32768x1024xf32, #tpu.memory_space<hbm>> -> memref<16x1024xf32, #tpu.memory_space<hbm>>
    tpu.enqueue_dma source(%arg6 : memref<16x1024xf32, #tpu.memory_space<vmem>>) target(%dma_start3A_43 : memref<16x1024xf32, #tpu.memory_space<hbm>>) target_semaphore(%arg20 : memref<!tpu.dma_semaphore, #tpu.memory_space<semaphore_mem>>)
    %multiple_of3A_44 = arith.constant 80 : i32
    %multiple_of3A_45 = tpu.assume_multiple %multiple_of3A_44, 8 : i32
    %dma_start3A_46 = tpu.memref_slice %arg5[%multiple_of3A_45] : memref<1024xi32, #tpu.memory_space<vmem>> -> memref<16xi32, #tpu.memory_space<vmem>>
    %dma_start3A_47 = arith.constant 0 : i32
    %dma_start3A_48 = arith.constant 0 : i32
    %dma_start3A_49 = tpu.memref_slice %arg3[%dma_start3A_47, %dma_start3A_48] : memref<8192x1024xf32, #tpu.memory_space<hbm>> -> memref<8192x1024xf32, #tpu.memory_space<hbm>>
    tpu.enqueue_indirect_dma source(%dma_start3A_49 : memref<8192x1024xf32, #tpu.memory_space<hbm>>) target(%arg11 : memref<16x1024xf32, #tpu.memory_space<vmem>>) offsets(%dma_start3A_46 : memref<16xi32, #tpu.memory_space<vmem>>) semaphore(%arg18 : memref<!tpu.dma_semaphore, #tpu.memory_space<semaphore_mem>>)
    %scan3A = arith.constant 0 : i32
    %scan3A_50 = arith.constant 0 : i32
    %scan3A_51 = arith.constant 9 : i32
    %scan3A_52 = arith.addi %scan3A_50, %scan3A_51 : i32
    %scan3A_53 = arith.constant 1 : i32
    scf.for %scan3A_67 = %scan3A_50 to %scan3A_52 step %scan3A_53  : i32 {
      %mul3A_68 = arith.constant 7 : i32
      %mul3A_69 = arith.muli %scan3A_67, %mul3A_68 : i32
      %add3A_70 = arith.constant 1 : i32
      %add3A_71 = arith.addi %add3A_70, %mul3A_69 : i32
      %add3A_72 = arith.constant 0 : i32
      %add3A_73 = arith.addi %add3A_71, %add3A_72 : i32
      %dma_wait3A_74 = arith.constant 0 : i32
      %dma_wait3A_75 = tpu.memref_slice %arg5[%dma_wait3A_74] : memref<1024xi32, #tpu.memory_space<vmem>> -> memref<16xi32, #tpu.memory_space<vmem>>
      %dma_wait3A_76 = arith.constant 0 : i32
      %dma_wait3A_77 = arith.constant 0 : i32
      %dma_wait3A_78 = tpu.memref_slice %arg3[%dma_wait3A_76, %dma_wait3A_77] : memref<8192x1024xf32, #tpu.memory_space<hbm>> -> memref<8192x1024xf32, #tpu.memory_space<hbm>>
      tpu.wait_indirect_dma semaphore(%arg14 : memref<!tpu.dma_semaphore, #tpu.memory_space<semaphore_mem>>) src(%dma_wait3A_78 : memref<8192x1024xf32, #tpu.memory_space<hbm>>) dst(%arg7 : memref<16x1024xf32, #tpu.memory_space<vmem>>)
      %mul3A_79 = arith.constant 16 : i32
      %mul3A_80 = arith.muli %add3A_73, %mul3A_79 : i32
      %multiple_of3A_81 = tpu.assume_multiple %mul3A_80, 8 : i32
      %add3A_82 = arith.addi %mul3A_2, %multiple_of3A_81 : i32
      %dma_start3A_83 = tpu.memref_reshape %arg4 : memref<8192x4x1024xf32, #tpu.memory_space<hbm>> -> memref<32768x1024xf32, #tpu.memory_space<hbm>>
      %dma_start3A_84 = arith.constant 0 : i32
      %dma_start3A_85 = tpu.memref_slice %dma_start3A_83[%add3A_82, %dma_start3A_84] : memref<32768x1024xf32, #tpu.memory_space<hbm>> -> memref<16x1024xf32, #tpu.memory_space<hbm>>
      %dma_start3A_86 = tpu.memref_reshape %arg4 : memref<8192x4x1024xf32, #tpu.memory_space<hbm>> -> memref<32768x1024xf32, #tpu.memory_space<hbm>>
      %dma_start3A_87 = arith.constant 0 : i32
      %dma_start3A_88 = tpu.memref_slice %dma_start3A_86[%add3A_82, %dma_start3A_87] : memref<32768x1024xf32, #tpu.memory_space<hbm>> -> memref<16x1024xf32, #tpu.memory_space<hbm>>
      tpu.enqueue_dma source(%arg7 : memref<16x1024xf32, #tpu.memory_space<vmem>>) target(%dma_start3A_88 : memref<16x1024xf32, #tpu.memory_space<hbm>>) target_semaphore(%arg21 : memref<!tpu.dma_semaphore, #tpu.memory_space<semaphore_mem>>)
      %ge3A = arith.constant 2 : i32
      %ge3A_89 = arith.cmpi sge, %add3A_73, %ge3A : i32
      %convert_element_type3A = arith.extui %ge3A_89 : i1 to i32
      %cond3A = arith.constant 0 : i32
      %cond3A_90 = arith.cmpi ne, %convert_element_type3A, %cond3A : i32
      scf.if %cond3A_90 {
        %dma_wait3A_295 = tpu.memref_reshape %arg4 : memref<8192x4x1024xf32, #tpu.memory_space<hbm>> -> memref<32768x1024xf32, #tpu.memory_space<hbm>>
        %dma_wait3A_296 = arith.constant 0 : i32
        %dma_wait3A_297 = tpu.memref_slice %dma_wait3A_295[%mul3A_2, %dma_wait3A_296] : memref<32768x1024xf32, #tpu.memory_space<hbm>> -> memref<16x1024xf32, #tpu.memory_space<hbm>>
        %dma_wait3A_298 = tpu.memref_reshape %arg4 : memref<8192x4x1024xf32, #tpu.memory_space<hbm>> -> memref<32768x1024xf32, #tpu.memory_space<hbm>>
        %dma_wait3A_299 = arith.constant 0 : i32
        %dma_wait3A_300 = tpu.memref_slice %dma_wait3A_298[%mul3A_2, %dma_wait3A_299] : memref<32768x1024xf32, #tpu.memory_space<hbm>> -> memref<16x1024xf32, #tpu.memory_space<hbm>>
        tpu.wait_dma2 semaphore(%arg26 : memref<!tpu.dma_semaphore, #tpu.memory_space<semaphore_mem>>) src(%arg12 : memref<16x1024xf32, #tpu.memory_space<vmem>>) dst(%dma_wait3A_300 : memref<16x1024xf32, #tpu.memory_space<hbm>>)
      } else {
      }
      %add3A_91 = arith.constant 5 : i32
      %add3A_92 = arith.addi %add3A_73, %add3A_91 : i32
      %lt3A = arith.constant 64 : i32
      %lt3A_93 = arith.cmpi slt, %add3A_92, %lt3A : i32
      %convert_element_type3A_94 = arith.extui %lt3A_93 : i1 to i32
      %cond3A_95 = arith.constant 0 : i32
      %cond3A_96 = arith.cmpi ne, %convert_element_type3A_94, %cond3A_95 : i32
      scf.if %cond3A_96 {
        %add3A_295 = arith.constant 5 : i32
        %add3A_296 = arith.addi %add3A_73, %add3A_295 : i32
        %mul3A_297 = arith.constant 16 : i32
        %mul3A_298 = arith.muli %add3A_296, %mul3A_297 : i32
        %multiple_of3A_299 = tpu.assume_multiple %mul3A_298, 8 : i32
        %dma_start3A_300 = tpu.memref_slice %arg5[%multiple_of3A_299] : memref<1024xi32, #tpu.memory_space<vmem>> -> memref<16xi32, #tpu.memory_space<vmem>>
        %dma_start3A_301 = arith.constant 0 : i32
        %dma_start3A_302 = arith.constant 0 : i32
        %dma_start3A_303 = tpu.memref_slice %arg3[%dma_start3A_301, %dma_start3A_302] : memref<8192x1024xf32, #tpu.memory_space<hbm>> -> memref<8192x1024xf32, #tpu.memory_space<hbm>>
        tpu.enqueue_indirect_dma source(%dma_start3A_303 : memref<8192x1024xf32, #tpu.memory_space<hbm>>) target(%arg12 : memref<16x1024xf32, #tpu.memory_space<vmem>>) offsets(%dma_start3A_300 : memref<16xi32, #tpu.memory_space<vmem>>) semaphore(%arg19 : memref<!tpu.dma_semaphore, #tpu.memory_space<semaphore_mem>>)
      } else {
      }
      %mul3A_97 = arith.constant 7 : i32
      %mul3A_98 = arith.muli %scan3A_67, %mul3A_97 : i32
      %add3A_99 = arith.constant 1 : i32
      %add3A_100 = arith.addi %add3A_99, %mul3A_98 : i32
      %add3A_101 = arith.constant 1 : i32
      %add3A_102 = arith.addi %add3A_100, %add3A_101 : i32
      %dma_wait3A_103 = arith.constant 0 : i32
      %dma_wait3A_104 = tpu.memref_slice %arg5[%dma_wait3A_103] : memref<1024xi32, #tpu.memory_space<vmem>> -> memref<16xi32, #tpu.memory_space<vmem>>
      %dma_wait3A_105 = arith.constant 0 : i32
      %dma_wait3A_106 = arith.constant 0 : i32
      %dma_wait3A_107 = tpu.memref_slice %arg3[%dma_wait3A_105, %dma_wait3A_106] : memref<8192x1024xf32, #tpu.memory_space<hbm>> -> memref<8192x1024xf32, #tpu.memory_space<hbm>>
      tpu.wait_indirect_dma semaphore(%arg15 : memref<!tpu.dma_semaphore, #tpu.memory_space<semaphore_mem>>) src(%dma_wait3A_107 : memref<8192x1024xf32, #tpu.memory_space<hbm>>) dst(%arg8 : memref<16x1024xf32, #tpu.memory_space<vmem>>)
      %mul3A_108 = arith.constant 16 : i32
      %mul3A_109 = arith.muli %add3A_102, %mul3A_108 : i32
      %multiple_of3A_110 = tpu.assume_multiple %mul3A_109, 8 : i32
      %add3A_111 = arith.addi %mul3A_2, %multiple_of3A_110 : i32
      %dma_start3A_112 = tpu.memref_reshape %arg4 : memref<8192x4x1024xf32, #tpu.memory_space<hbm>> -> memref<32768x1024xf32, #tpu.memory_space<hbm>>
      %dma_start3A_113 = arith.constant 0 : i32
      %dma_start3A_114 = tpu.memref_slice %dma_start3A_112[%add3A_111, %dma_start3A_113] : memref<32768x1024xf32, #tpu.memory_space<hbm>> -> memref<16x1024xf32, #tpu.memory_space<hbm>>
      %dma_start3A_115 = tpu.memref_reshape %arg4 : memref<8192x4x1024xf32, #tpu.memory_space<hbm>> -> memref<32768x1024xf32, #tpu.memory_space<hbm>>
      %dma_start3A_116 = arith.constant 0 : i32
      %dma_start3A_117 = tpu.memref_slice %dma_start3A_115[%add3A_111, %dma_start3A_116] : memref<32768x1024xf32, #tpu.memory_space<hbm>> -> memref<16x1024xf32, #tpu.memory_space<hbm>>
      tpu.enqueue_dma source(%arg8 : memref<16x1024xf32, #tpu.memory_space<vmem>>) target(%dma_start3A_117 : memref<16x1024xf32, #tpu.memory_space<hbm>>) target_semaphore(%arg22 : memref<!tpu.dma_semaphore, #tpu.memory_space<semaphore_mem>>)
      %ge3A_118 = arith.constant 2 : i32
      %ge3A_119 = arith.cmpi sge, %add3A_102, %ge3A_118 : i32
      %convert_element_type3A_120 = arith.extui %ge3A_119 : i1 to i32
      %cond3A_121 = arith.constant 0 : i32
      %cond3A_122 = arith.cmpi ne, %convert_element_type3A_120, %cond3A_121 : i32
      scf.if %cond3A_122 {
        %dma_wait3A_295 = tpu.memref_reshape %arg4 : memref<8192x4x1024xf32, #tpu.memory_space<hbm>> -> memref<32768x1024xf32, #tpu.memory_space<hbm>>
        %dma_wait3A_296 = arith.constant 0 : i32
        %dma_wait3A_297 = tpu.memref_slice %dma_wait3A_295[%mul3A_2, %dma_wait3A_296] : memref<32768x1024xf32, #tpu.memory_space<hbm>> -> memref<16x1024xf32, #tpu.memory_space<hbm>>
        %dma_wait3A_298 = tpu.memref_reshape %arg4 : memref<8192x4x1024xf32, #tpu.memory_space<hbm>> -> memref<32768x1024xf32, #tpu.memory_space<hbm>>
        %dma_wait3A_299 = arith.constant 0 : i32
        %dma_wait3A_300 = tpu.memref_slice %dma_wait3A_298[%mul3A_2, %dma_wait3A_299] : memref<32768x1024xf32, #tpu.memory_space<hbm>> -> memref<16x1024xf32, #tpu.memory_space<hbm>>
        tpu.wait_dma2 semaphore(%arg20 : memref<!tpu.dma_semaphore, #tpu.memory_space<semaphore_mem>>) src(%arg6 : memref<16x1024xf32, #tpu.memory_space<vmem>>) dst(%dma_wait3A_300 : memref<16x1024xf32, #tpu.memory_space<hbm>>)
      } else {
      }
      %add3A_123 = arith.constant 5 : i32
      %add3A_124 = arith.addi %add3A_102, %add3A_123 : i32
      %lt3A_125 = arith.constant 64 : i32
      %lt3A_126 = arith.cmpi slt, %add3A_124, %lt3A_125 : i32
      %convert_element_type3A_127 = arith.extui %lt3A_126 : i1 to i32
      %cond3A_128 = arith.constant 0 : i32
      %cond3A_129 = arith.cmpi ne, %convert_element_type3A_127, %cond3A_128 : i32
      scf.if %cond3A_129 {
        %add3A_295 = arith.constant 5 : i32
        %add3A_296 = arith.addi %add3A_102, %add3A_295 : i32
        %mul3A_297 = arith.constant 16 : i32
        %mul3A_298 = arith.muli %add3A_296, %mul3A_297 : i32
        %multiple_of3A_299 = tpu.assume_multiple %mul3A_298, 8 : i32
        %dma_start3A_300 = tpu.memref_slice %arg5[%multiple_of3A_299] : memref<1024xi32, #tpu.memory_space<vmem>> -> memref<16xi32, #tpu.memory_space<vmem>>
        %dma_start3A_301 = arith.constant 0 : i32
        %dma_start3A_302 = arith.constant 0 : i32
        %dma_start3A_303 = tpu.memref_slice %arg3[%dma_start3A_301, %dma_start3A_302] : memref<8192x1024xf32, #tpu.memory_space<hbm>> -> memref<8192x1024xf32, #tpu.memory_space<hbm>>
        tpu.enqueue_indirect_dma source(%dma_start3A_303 : memref<8192x1024xf32, #tpu.memory_space<hbm>>) target(%arg6 : memref<16x1024xf32, #tpu.memory_space<vmem>>) offsets(%dma_start3A_300 : memref<16xi32, #tpu.memory_space<vmem>>) semaphore(%arg13 : memref<!tpu.dma_semaphore, #tpu.memory_space<semaphore_mem>>)
      } else {
      }
      %mul3A_130 = arith.constant 7 : i32
      %mul3A_131 = arith.muli %scan3A_67, %mul3A_130 : i32
      %add3A_132 = arith.constant 1 : i32
      %add3A_133 = arith.addi %add3A_132, %mul3A_131 : i32
      %add3A_134 = arith.constant 2 : i32
      %add3A_135 = arith.addi %add3A_133, %add3A_134 : i32
      %dma_wait3A_136 = arith.constant 0 : i32
      %dma_wait3A_137 = tpu.memref_slice %arg5[%dma_wait3A_136] : memref<1024xi32, #tpu.memory_space<vmem>> -> memref<16xi32, #tpu.memory_space<vmem>>
      %dma_wait3A_138 = arith.constant 0 : i32
      %dma_wait3A_139 = arith.constant 0 : i32
      %dma_wait3A_140 = tpu.memref_slice %arg3[%dma_wait3A_138, %dma_wait3A_139] : memref<8192x1024xf32, #tpu.memory_space<hbm>> -> memref<8192x1024xf32, #tpu.memory_space<hbm>>
      tpu.wait_indirect_dma semaphore(%arg16 : memref<!tpu.dma_semaphore, #tpu.memory_space<semaphore_mem>>) src(%dma_wait3A_140 : memref<8192x1024xf32, #tpu.memory_space<hbm>>) dst(%arg9 : memref<16x1024xf32, #tpu.memory_space<vmem>>)
      %mul3A_141 = arith.constant 16 : i32
      %mul3A_142 = arith.muli %add3A_135, %mul3A_141 : i32
      %multiple_of3A_143 = tpu.assume_multiple %mul3A_142, 8 : i32
      %add3A_144 = arith.addi %mul3A_2, %multiple_of3A_143 : i32
      %dma_start3A_145 = tpu.memref_reshape %arg4 : memref<8192x4x1024xf32, #tpu.memory_space<hbm>> -> memref<32768x1024xf32, #tpu.memory_space<hbm>>
      %dma_start3A_146 = arith.constant 0 : i32
      %dma_start3A_147 = tpu.memref_slice %dma_start3A_145[%add3A_144, %dma_start3A_146] : memref<32768x1024xf32, #tpu.memory_space<hbm>> -> memref<16x1024xf32, #tpu.memory_space<hbm>>
      %dma_start3A_148 = tpu.memref_reshape %arg4 : memref<8192x4x1024xf32, #tpu.memory_space<hbm>> -> memref<32768x1024xf32, #tpu.memory_space<hbm>>
      %dma_start3A_149 = arith.constant 0 : i32
      %dma_start3A_150 = tpu.memref_slice %dma_start3A_148[%add3A_144, %dma_start3A_149] : memref<32768x1024xf32, #tpu.memory_space<hbm>> -> memref<16x1024xf32, #tpu.memory_space<hbm>>
      tpu.enqueue_dma source(%arg9 : memref<16x1024xf32, #tpu.memory_space<vmem>>) target(%dma_start3A_150 : memref<16x1024xf32, #tpu.memory_space<hbm>>) target_semaphore(%arg23 : memref<!tpu.dma_semaphore, #tpu.memory_space<semaphore_mem>>)
      %ge3A_151 = arith.constant 2 : i32
      %ge3A_152 = arith.cmpi sge, %add3A_135, %ge3A_151 : i32
      %convert_element_type3A_153 = arith.extui %ge3A_152 : i1 to i32
      %cond3A_154 = arith.constant 0 : i32
      %cond3A_155 = arith.cmpi ne, %convert_element_type3A_153, %cond3A_154 : i32
      scf.if %cond3A_155 {
        %dma_wait3A_295 = tpu.memref_reshape %arg4 : memref<8192x4x1024xf32, #tpu.memory_space<hbm>> -> memref<32768x1024xf32, #tpu.memory_space<hbm>>
        %dma_wait3A_296 = arith.constant 0 : i32
        %dma_wait3A_297 = tpu.memref_slice %dma_wait3A_295[%mul3A_2, %dma_wait3A_296] : memref<32768x1024xf32, #tpu.memory_space<hbm>> -> memref<16x1024xf32, #tpu.memory_space<hbm>>
        %dma_wait3A_298 = tpu.memref_reshape %arg4 : memref<8192x4x1024xf32, #tpu.memory_space<hbm>> -> memref<32768x1024xf32, #tpu.memory_space<hbm>>
        %dma_wait3A_299 = arith.constant 0 : i32
        %dma_wait3A_300 = tpu.memref_slice %dma_wait3A_298[%mul3A_2, %dma_wait3A_299] : memref<32768x1024xf32, #tpu.memory_space<hbm>> -> memref<16x1024xf32, #tpu.memory_space<hbm>>
        tpu.wait_dma2 semaphore(%arg21 : memref<!tpu.dma_semaphore, #tpu.memory_space<semaphore_mem>>) src(%arg7 : memref<16x1024xf32, #tpu.memory_space<vmem>>) dst(%dma_wait3A_300 : memref<16x1024xf32, #tpu.memory_space<hbm>>)
      } else {
      }
      %add3A_156 = arith.constant 5 : i32
      %add3A_157 = arith.addi %add3A_135, %add3A_156 : i32
      %lt3A_158 = arith.constant 64 : i32
      %lt3A_159 = arith.cmpi slt, %add3A_157, %lt3A_158 : i32
      %convert_element_type3A_160 = arith.extui %lt3A_159 : i1 to i32
      %cond3A_161 = arith.constant 0 : i32
      %cond3A_162 = arith.cmpi ne, %convert_element_type3A_160, %cond3A_161 : i32
      scf.if %cond3A_162 {
        %add3A_295 = arith.constant 5 : i32
        %add3A_296 = arith.addi %add3A_135, %add3A_295 : i32
        %mul3A_297 = arith.constant 16 : i32
        %mul3A_298 = arith.muli %add3A_296, %mul3A_297 : i32
        %multiple_of3A_299 = tpu.assume_multiple %mul3A_298, 8 : i32
        %dma_start3A_300 = tpu.memref_slice %arg5[%multiple_of3A_299] : memref<1024xi32, #tpu.memory_space<vmem>> -> memref<16xi32, #tpu.memory_space<vmem>>
        %dma_start3A_301 = arith.constant 0 : i32
        %dma_start3A_302 = arith.constant 0 : i32
        %dma_start3A_303 = tpu.memref_slice %arg3[%dma_start3A_301, %dma_start3A_302] : memref<8192x1024xf32, #tpu.memory_space<hbm>> -> memref<8192x1024xf32, #tpu.memory_space<hbm>>
        tpu.enqueue_indirect_dma source(%dma_start3A_303 : memref<8192x1024xf32, #tpu.memory_space<hbm>>) target(%arg7 : memref<16x1024xf32, #tpu.memory_space<vmem>>) offsets(%dma_start3A_300 : memref<16xi32, #tpu.memory_space<vmem>>) semaphore(%arg14 : memref<!tpu.dma_semaphore, #tpu.memory_space<semaphore_mem>>)
      } else {
      }
      %mul3A_163 = arith.constant 7 : i32
      %mul3A_164 = arith.muli %scan3A_67, %mul3A_163 : i32
      %add3A_165 = arith.constant 1 : i32
      %add3A_166 = arith.addi %add3A_165, %mul3A_164 : i32
      %add3A_167 = arith.constant 3 : i32
      %add3A_168 = arith.addi %add3A_166, %add3A_167 : i32
      %dma_wait3A_169 = arith.constant 0 : i32
      %dma_wait3A_170 = tpu.memref_slice %arg5[%dma_wait3A_169] : memref<1024xi32, #tpu.memory_space<vmem>> -> memref<16xi32, #tpu.memory_space<vmem>>
      %dma_wait3A_171 = arith.constant 0 : i32
      %dma_wait3A_172 = arith.constant 0 : i32
      %dma_wait3A_173 = tpu.memref_slice %arg3[%dma_wait3A_171, %dma_wait3A_172] : memref<8192x1024xf32, #tpu.memory_space<hbm>> -> memref<8192x1024xf32, #tpu.memory_space<hbm>>
      tpu.wait_indirect_dma semaphore(%arg17 : memref<!tpu.dma_semaphore, #tpu.memory_space<semaphore_mem>>) src(%dma_wait3A_173 : memref<8192x1024xf32, #tpu.memory_space<hbm>>) dst(%arg10 : memref<16x1024xf32, #tpu.memory_space<vmem>>)
      %mul3A_174 = arith.constant 16 : i32
      %mul3A_175 = arith.muli %add3A_168, %mul3A_174 : i32
      %multiple_of3A_176 = tpu.assume_multiple %mul3A_175, 8 : i32
      %add3A_177 = arith.addi %mul3A_2, %multiple_of3A_176 : i32
      %dma_start3A_178 = tpu.memref_reshape %arg4 : memref<8192x4x1024xf32, #tpu.memory_space<hbm>> -> memref<32768x1024xf32, #tpu.memory_space<hbm>>
      %dma_start3A_179 = arith.constant 0 : i32
      %dma_start3A_180 = tpu.memref_slice %dma_start3A_178[%add3A_177, %dma_start3A_179] : memref<32768x1024xf32, #tpu.memory_space<hbm>> -> memref<16x1024xf32, #tpu.memory_space<hbm>>
      %dma_start3A_181 = tpu.memref_reshape %arg4 : memref<8192x4x1024xf32, #tpu.memory_space<hbm>> -> memref<32768x1024xf32, #tpu.memory_space<hbm>>
      %dma_start3A_182 = arith.constant 0 : i32
      %dma_start3A_183 = tpu.memref_slice %dma_start3A_181[%add3A_177, %dma_start3A_182] : memref<32768x1024xf32, #tpu.memory_space<hbm>> -> memref<16x1024xf32, #tpu.memory_space<hbm>>
      tpu.enqueue_dma source(%arg10 : memref<16x1024xf32, #tpu.memory_space<vmem>>) target(%dma_start3A_183 : memref<16x1024xf32, #tpu.memory_space<hbm>>) target_semaphore(%arg24 : memref<!tpu.dma_semaphore, #tpu.memory_space<semaphore_mem>>)
      %ge3A_184 = arith.constant 2 : i32
      %ge3A_185 = arith.cmpi sge, %add3A_168, %ge3A_184 : i32
      %convert_element_type3A_186 = arith.extui %ge3A_185 : i1 to i32
      %cond3A_187 = arith.constant 0 : i32
      %cond3A_188 = arith.cmpi ne, %convert_element_type3A_186, %cond3A_187 : i32
      scf.if %cond3A_188 {
        %dma_wait3A_295 = tpu.memref_reshape %arg4 : memref<8192x4x1024xf32, #tpu.memory_space<hbm>> -> memref<32768x1024xf32, #tpu.memory_space<hbm>>
        %dma_wait3A_296 = arith.constant 0 : i32
        %dma_wait3A_297 = tpu.memref_slice %dma_wait3A_295[%mul3A_2, %dma_wait3A_296] : memref<32768x1024xf32, #tpu.memory_space<hbm>> -> memref<16x1024xf32, #tpu.memory_space<hbm>>
        %dma_wait3A_298 = tpu.memref_reshape %arg4 : memref<8192x4x1024xf32, #tpu.memory_space<hbm>> -> memref<32768x1024xf32, #tpu.memory_space<hbm>>
        %dma_wait3A_299 = arith.constant 0 : i32
        %dma_wait3A_300 = tpu.memref_slice %dma_wait3A_298[%mul3A_2, %dma_wait3A_299] : memref<32768x1024xf32, #tpu.memory_space<hbm>> -> memref<16x1024xf32, #tpu.memory_space<hbm>>
        tpu.wait_dma2 semaphore(%arg22 : memref<!tpu.dma_semaphore, #tpu.memory_space<semaphore_mem>>) src(%arg8 : memref<16x1024xf32, #tpu.memory_space<vmem>>) dst(%dma_wait3A_300 : memref<16x1024xf32, #tpu.memory_space<hbm>>)
      } else {
      }
      %add3A_189 = arith.constant 5 : i32
      %add3A_190 = arith.addi %add3A_168, %add3A_189 : i32
      %lt3A_191 = arith.constant 64 : i32
      %lt3A_192 = arith.cmpi slt, %add3A_190, %lt3A_191 : i32
      %convert_element_type3A_193 = arith.extui %lt3A_192 : i1 to i32
      %cond3A_194 = arith.constant 0 : i32
      %cond3A_195 = arith.cmpi ne, %convert_element_type3A_193, %cond3A_194 : i32
      scf.if %cond3A_195 {
        %add3A_295 = arith.constant 5 : i32
        %add3A_296 = arith.addi %add3A_168, %add3A_295 : i32
        %mul3A_297 = arith.constant 16 : i32
        %mul3A_298 = arith.muli %add3A_296, %mul3A_297 : i32
        %multiple_of3A_299 = tpu.assume_multiple %mul3A_298, 8 : i32
        %dma_start3A_300 = tpu.memref_slice %arg5[%multiple_of3A_299] : memref<1024xi32, #tpu.memory_space<vmem>> -> memref<16xi32, #tpu.memory_space<vmem>>
        %dma_start3A_301 = arith.constant 0 : i32
        %dma_start3A_302 = arith.constant 0 : i32
        %dma_start3A_303 = tpu.memref_slice %arg3[%dma_start3A_301, %dma_start3A_302] : memref<8192x1024xf32, #tpu.memory_space<hbm>> -> memref<8192x1024xf32, #tpu.memory_space<hbm>>
        tpu.enqueue_indirect_dma source(%dma_start3A_303 : memref<8192x1024xf32, #tpu.memory_space<hbm>>) target(%arg8 : memref<16x1024xf32, #tpu.memory_space<vmem>>) offsets(%dma_start3A_300 : memref<16xi32, #tpu.memory_space<vmem>>) semaphore(%arg15 : memref<!tpu.dma_semaphore, #tpu.memory_space<semaphore_mem>>)
      } else {
      }
      %mul3A_196 = arith.constant 7 : i32
      %mul3A_197 = arith.muli %scan3A_67, %mul3A_196 : i32
      %add3A_198 = arith.constant 1 : i32
      %add3A_199 = arith.addi %add3A_198, %mul3A_197 : i32
      %add3A_200 = arith.constant 4 : i32
      %add3A_201 = arith.addi %add3A_199, %add3A_200 : i32
      %dma_wait3A_202 = arith.constant 0 : i32
      %dma_wait3A_203 = tpu.memref_slice %arg5[%dma_wait3A_202] : memref<1024xi32, #tpu.memory_space<vmem>> -> memref<16xi32, #tpu.memory_space<vmem>>
      %dma_wait3A_204 = arith.constant 0 : i32
      %dma_wait3A_205 = arith.constant 0 : i32
      %dma_wait3A_206 = tpu.memref_slice %arg3[%dma_wait3A_204, %dma_wait3A_205] : memref<8192x1024xf32, #tpu.memory_space<hbm>> -> memref<8192x1024xf32, #tpu.memory_space<hbm>>
      tpu.wait_indirect_dma semaphore(%arg18 : memref<!tpu.dma_semaphore, #tpu.memory_space<semaphore_mem>>) src(%dma_wait3A_206 : memref<8192x1024xf32, #tpu.memory_space<hbm>>) dst(%arg11 : memref<16x1024xf32, #tpu.memory_space<vmem>>)
      %mul3A_207 = arith.constant 16 : i32
      %mul3A_208 = arith.muli %add3A_201, %mul3A_207 : i32
      %multiple_of3A_209 = tpu.assume_multiple %mul3A_208, 8 : i32
      %add3A_210 = arith.addi %mul3A_2, %multiple_of3A_209 : i32
      %dma_start3A_211 = tpu.memref_reshape %arg4 : memref<8192x4x1024xf32, #tpu.memory_space<hbm>> -> memref<32768x1024xf32, #tpu.memory_space<hbm>>
      %dma_start3A_212 = arith.constant 0 : i32
      %dma_start3A_213 = tpu.memref_slice %dma_start3A_211[%add3A_210, %dma_start3A_212] : memref<32768x1024xf32, #tpu.memory_space<hbm>> -> memref<16x1024xf32, #tpu.memory_space<hbm>>
      %dma_start3A_214 = tpu.memref_reshape %arg4 : memref<8192x4x1024xf32, #tpu.memory_space<hbm>> -> memref<32768x1024xf32, #tpu.memory_space<hbm>>
      %dma_start3A_215 = arith.constant 0 : i32
      %dma_start3A_216 = tpu.memref_slice %dma_start3A_214[%add3A_210, %dma_start3A_215] : memref<32768x1024xf32, #tpu.memory_space<hbm>> -> memref<16x1024xf32, #tpu.memory_space<hbm>>
      tpu.enqueue_dma source(%arg11 : memref<16x1024xf32, #tpu.memory_space<vmem>>) target(%dma_start3A_216 : memref<16x1024xf32, #tpu.memory_space<hbm>>) target_semaphore(%arg25 : memref<!tpu.dma_semaphore, #tpu.memory_space<semaphore_mem>>)
      %ge3A_217 = arith.constant 2 : i32
      %ge3A_218 = arith.cmpi sge, %add3A_201, %ge3A_217 : i32
      %convert_element_type3A_219 = arith.extui %ge3A_218 : i1 to i32
      %cond3A_220 = arith.constant 0 : i32
      %cond3A_221 = arith.cmpi ne, %convert_element_type3A_219, %cond3A_220 : i32
      scf.if %cond3A_221 {
        %dma_wait3A_295 = tpu.memref_reshape %arg4 : memref<8192x4x1024xf32, #tpu.memory_space<hbm>> -> memref<32768x1024xf32, #tpu.memory_space<hbm>>
        %dma_wait3A_296 = arith.constant 0 : i32
        %dma_wait3A_297 = tpu.memref_slice %dma_wait3A_295[%mul3A_2, %dma_wait3A_296] : memref<32768x1024xf32, #tpu.memory_space<hbm>> -> memref<16x1024xf32, #tpu.memory_space<hbm>>
        %dma_wait3A_298 = tpu.memref_reshape %arg4 : memref<8192x4x1024xf32, #tpu.memory_space<hbm>> -> memref<32768x1024xf32, #tpu.memory_space<hbm>>
        %dma_wait3A_299 = arith.constant 0 : i32
        %dma_wait3A_300 = tpu.memref_slice %dma_wait3A_298[%mul3A_2, %dma_wait3A_299] : memref<32768x1024xf32, #tpu.memory_space<hbm>> -> memref<16x1024xf32, #tpu.memory_space<hbm>>
        tpu.wait_dma2 semaphore(%arg23 : memref<!tpu.dma_semaphore, #tpu.memory_space<semaphore_mem>>) src(%arg9 : memref<16x1024xf32, #tpu.memory_space<vmem>>) dst(%dma_wait3A_300 : memref<16x1024xf32, #tpu.memory_space<hbm>>)
      } else {
      }
      %add3A_222 = arith.constant 5 : i32
      %add3A_223 = arith.addi %add3A_201, %add3A_222 : i32
      %lt3A_224 = arith.constant 64 : i32
      %lt3A_225 = arith.cmpi slt, %add3A_223, %lt3A_224 : i32
      %convert_element_type3A_226 = arith.extui %lt3A_225 : i1 to i32
      %cond3A_227 = arith.constant 0 : i32
      %cond3A_228 = arith.cmpi ne, %convert_element_type3A_226, %cond3A_227 : i32
      scf.if %cond3A_228 {
        %add3A_295 = arith.constant 5 : i32
        %add3A_296 = arith.addi %add3A_201, %add3A_295 : i32
        %mul3A_297 = arith.constant 16 : i32
        %mul3A_298 = arith.muli %add3A_296, %mul3A_297 : i32
        %multiple_of3A_299 = tpu.assume_multiple %mul3A_298, 8 : i32
        %dma_start3A_300 = tpu.memref_slice %arg5[%multiple_of3A_299] : memref<1024xi32, #tpu.memory_space<vmem>> -> memref<16xi32, #tpu.memory_space<vmem>>
        %dma_start3A_301 = arith.constant 0 : i32
        %dma_start3A_302 = arith.constant 0 : i32
        %dma_start3A_303 = tpu.memref_slice %arg3[%dma_start3A_301, %dma_start3A_302] : memref<8192x1024xf32, #tpu.memory_space<hbm>> -> memref<8192x1024xf32, #tpu.memory_space<hbm>>
        tpu.enqueue_indirect_dma source(%dma_start3A_303 : memref<8192x1024xf32, #tpu.memory_space<hbm>>) target(%arg9 : memref<16x1024xf32, #tpu.memory_space<vmem>>) offsets(%dma_start3A_300 : memref<16xi32, #tpu.memory_space<vmem>>) semaphore(%arg16 : memref<!tpu.dma_semaphore, #tpu.memory_space<semaphore_mem>>)
      } else {
      }
      %mul3A_229 = arith.constant 7 : i32
      %mul3A_230 = arith.muli %scan3A_67, %mul3A_229 : i32
      %add3A_231 = arith.constant 1 : i32
      %add3A_232 = arith.addi %add3A_231, %mul3A_230 : i32
      %add3A_233 = arith.constant 5 : i32
      %add3A_234 = arith.addi %add3A_232, %add3A_233 : i32
      %dma_wait3A_235 = arith.constant 0 : i32
      %dma_wait3A_236 = tpu.memref_slice %arg5[%dma_wait3A_235] : memref<1024xi32, #tpu.memory_space<vmem>> -> memref<16xi32, #tpu.memory_space<vmem>>
      %dma_wait3A_237 = arith.constant 0 : i32
      %dma_wait3A_238 = arith.constant 0 : i32
      %dma_wait3A_239 = tpu.memref_slice %arg3[%dma_wait3A_237, %dma_wait3A_238] : memref<8192x1024xf32, #tpu.memory_space<hbm>> -> memref<8192x1024xf32, #tpu.memory_space<hbm>>
      tpu.wait_indirect_dma semaphore(%arg19 : memref<!tpu.dma_semaphore, #tpu.memory_space<semaphore_mem>>) src(%dma_wait3A_239 : memref<8192x1024xf32, #tpu.memory_space<hbm>>) dst(%arg12 : memref<16x1024xf32, #tpu.memory_space<vmem>>)
      %mul3A_240 = arith.constant 16 : i32
      %mul3A_241 = arith.muli %add3A_234, %mul3A_240 : i32
      %multiple_of3A_242 = tpu.assume_multiple %mul3A_241, 8 : i32
      %add3A_243 = arith.addi %mul3A_2, %multiple_of3A_242 : i32
      %dma_start3A_244 = tpu.memref_reshape %arg4 : memref<8192x4x1024xf32, #tpu.memory_space<hbm>> -> memref<32768x1024xf32, #tpu.memory_space<hbm>>
      %dma_start3A_245 = arith.constant 0 : i32
      %dma_start3A_246 = tpu.memref_slice %dma_start3A_244[%add3A_243, %dma_start3A_245] : memref<32768x1024xf32, #tpu.memory_space<hbm>> -> memref<16x1024xf32, #tpu.memory_space<hbm>>
      %dma_start3A_247 = tpu.memref_reshape %arg4 : memref<8192x4x1024xf32, #tpu.memory_space<hbm>> -> memref<32768x1024xf32, #tpu.memory_space<hbm>>
      %dma_start3A_248 = arith.constant 0 : i32
      %dma_start3A_249 = tpu.memref_slice %dma_start3A_247[%add3A_243, %dma_start3A_248] : memref<32768x1024xf32, #tpu.memory_space<hbm>> -> memref<16x1024xf32, #tpu.memory_space<hbm>>
      tpu.enqueue_dma source(%arg12 : memref<16x1024xf32, #tpu.memory_space<vmem>>) target(%dma_start3A_249 : memref<16x1024xf32, #tpu.memory_space<hbm>>) target_semaphore(%arg26 : memref<!tpu.dma_semaphore, #tpu.memory_space<semaphore_mem>>)
      %ge3A_250 = arith.constant 2 : i32
      %ge3A_251 = arith.cmpi sge, %add3A_234, %ge3A_250 : i32
      %convert_element_type3A_252 = arith.extui %ge3A_251 : i1 to i32
      %cond3A_253 = arith.constant 0 : i32
      %cond3A_254 = arith.cmpi ne, %convert_element_type3A_252, %cond3A_253 : i32
      scf.if %cond3A_254 {
        %dma_wait3A_295 = tpu.memref_reshape %arg4 : memref<8192x4x1024xf32, #tpu.memory_space<hbm>> -> memref<32768x1024xf32, #tpu.memory_space<hbm>>
        %dma_wait3A_296 = arith.constant 0 : i32
        %dma_wait3A_297 = tpu.memref_slice %dma_wait3A_295[%mul3A_2, %dma_wait3A_296] : memref<32768x1024xf32, #tpu.memory_space<hbm>> -> memref<16x1024xf32, #tpu.memory_space<hbm>>
        %dma_wait3A_298 = tpu.memref_reshape %arg4 : memref<8192x4x1024xf32, #tpu.memory_space<hbm>> -> memref<32768x1024xf32, #tpu.memory_space<hbm>>
        %dma_wait3A_299 = arith.constant 0 : i32
        %dma_wait3A_300 = tpu.memref_slice %dma_wait3A_298[%mul3A_2, %dma_wait3A_299] : memref<32768x1024xf32, #tpu.memory_space<hbm>> -> memref<16x1024xf32, #tpu.memory_space<hbm>>
        tpu.wait_dma2 semaphore(%arg24 : memref<!tpu.dma_semaphore, #tpu.memory_space<semaphore_mem>>) src(%arg10 : memref<16x1024xf32, #tpu.memory_space<vmem>>) dst(%dma_wait3A_300 : memref<16x1024xf32, #tpu.memory_space<hbm>>)
      } else {
      }
      %add3A_255 = arith.constant 5 : i32
      %add3A_256 = arith.addi %add3A_234, %add3A_255 : i32
      %lt3A_257 = arith.constant 64 : i32
      %lt3A_258 = arith.cmpi slt, %add3A_256, %lt3A_257 : i32
      %convert_element_type3A_259 = arith.extui %lt3A_258 : i1 to i32
      %cond3A_260 = arith.constant 0 : i32
      %cond3A_261 = arith.cmpi ne, %convert_element_type3A_259, %cond3A_260 : i32
      scf.if %cond3A_261 {
        %add3A_295 = arith.constant 5 : i32
        %add3A_296 = arith.addi %add3A_234, %add3A_295 : i32
        %mul3A_297 = arith.constant 16 : i32
        %mul3A_298 = arith.muli %add3A_296, %mul3A_297 : i32
        %multiple_of3A_299 = tpu.assume_multiple %mul3A_298, 8 : i32
        %dma_start3A_300 = tpu.memref_slice %arg5[%multiple_of3A_299] : memref<1024xi32, #tpu.memory_space<vmem>> -> memref<16xi32, #tpu.memory_space<vmem>>
        %dma_start3A_301 = arith.constant 0 : i32
        %dma_start3A_302 = arith.constant 0 : i32
        %dma_start3A_303 = tpu.memref_slice %arg3[%dma_start3A_301, %dma_start3A_302] : memref<8192x1024xf32, #tpu.memory_space<hbm>> -> memref<8192x1024xf32, #tpu.memory_space<hbm>>
        tpu.enqueue_indirect_dma source(%dma_start3A_303 : memref<8192x1024xf32, #tpu.memory_space<hbm>>) target(%arg10 : memref<16x1024xf32, #tpu.memory_space<vmem>>) offsets(%dma_start3A_300 : memref<16xi32, #tpu.memory_space<vmem>>) semaphore(%arg17 : memref<!tpu.dma_semaphore, #tpu.memory_space<semaphore_mem>>)
      } else {
      }
      %mul3A_262 = arith.constant 7 : i32
      %mul3A_263 = arith.muli %scan3A_67, %mul3A_262 : i32
      %add3A_264 = arith.constant 1 : i32
      %add3A_265 = arith.addi %add3A_264, %mul3A_263 : i32
      %add3A_266 = arith.constant 6 : i32
      %add3A_267 = arith.addi %add3A_265, %add3A_266 : i32
      %dma_wait3A_268 = arith.constant 0 : i32
      %dma_wait3A_269 = tpu.memref_slice %arg5[%dma_wait3A_268] : memref<1024xi32, #tpu.memory_space<vmem>> -> memref<16xi32, #tpu.memory_space<vmem>>
      %dma_wait3A_270 = arith.constant 0 : i32
      %dma_wait3A_271 = arith.constant 0 : i32
      %dma_wait3A_272 = tpu.memref_slice %arg3[%dma_wait3A_270, %dma_wait3A_271] : memref<8192x1024xf32, #tpu.memory_space<hbm>> -> memref<8192x1024xf32, #tpu.memory_space<hbm>>
      tpu.wait_indirect_dma semaphore(%arg13 : memref<!tpu.dma_semaphore, #tpu.memory_space<semaphore_mem>>) src(%dma_wait3A_272 : memref<8192x1024xf32, #tpu.memory_space<hbm>>) dst(%arg6 : memref<16x1024xf32, #tpu.memory_space<vmem>>)
      %mul3A_273 = arith.constant 16 : i32
      %mul3A_274 = arith.muli %add3A_267, %mul3A_273 : i32
      %multiple_of3A_275 = tpu.assume_multiple %mul3A_274, 8 : i32
      %add3A_276 = arith.addi %mul3A_2, %multiple_of3A_275 : i32
      %dma_start3A_277 = tpu.memref_reshape %arg4 : memref<8192x4x1024xf32, #tpu.memory_space<hbm>> -> memref<32768x1024xf32, #tpu.memory_space<hbm>>
      %dma_start3A_278 = arith.constant 0 : i32
      %dma_start3A_279 = tpu.memref_slice %dma_start3A_277[%add3A_276, %dma_start3A_278] : memref<32768x1024xf32, #tpu.memory_space<hbm>> -> memref<16x1024xf32, #tpu.memory_space<hbm>>
      %dma_start3A_280 = tpu.memref_reshape %arg4 : memref<8192x4x1024xf32, #tpu.memory_space<hbm>> -> memref<32768x1024xf32, #tpu.memory_space<hbm>>
      %dma_start3A_281 = arith.constant 0 : i32
      %dma_start3A_282 = tpu.memref_slice %dma_start3A_280[%add3A_276, %dma_start3A_281] : memref<32768x1024xf32, #tpu.memory_space<hbm>> -> memref<16x1024xf32, #tpu.memory_space<hbm>>
      tpu.enqueue_dma source(%arg6 : memref<16x1024xf32, #tpu.memory_space<vmem>>) target(%dma_start3A_282 : memref<16x1024xf32, #tpu.memory_space<hbm>>) target_semaphore(%arg20 : memref<!tpu.dma_semaphore, #tpu.memory_space<semaphore_mem>>)
      %ge3A_283 = arith.constant 2 : i32
      %ge3A_284 = arith.cmpi sge, %add3A_267, %ge3A_283 : i32
      %convert_element_type3A_285 = arith.extui %ge3A_284 : i1 to i32
      %cond3A_286 = arith.constant 0 : i32
      %cond3A_287 = arith.cmpi ne, %convert_element_type3A_285, %cond3A_286 : i32
      scf.if %cond3A_287 {
        %dma_wait3A_295 = tpu.memref_reshape %arg4 : memref<8192x4x1024xf32, #tpu.memory_space<hbm>> -> memref<32768x1024xf32, #tpu.memory_space<hbm>>
        %dma_wait3A_296 = arith.constant 0 : i32
        %dma_wait3A_297 = tpu.memref_slice %dma_wait3A_295[%mul3A_2, %dma_wait3A_296] : memref<32768x1024xf32, #tpu.memory_space<hbm>> -> memref<16x1024xf32, #tpu.memory_space<hbm>>
        %dma_wait3A_298 = tpu.memref_reshape %arg4 : memref<8192x4x1024xf32, #tpu.memory_space<hbm>> -> memref<32768x1024xf32, #tpu.memory_space<hbm>>
        %dma_wait3A_299 = arith.constant 0 : i32
        %dma_wait3A_300 = tpu.memref_slice %dma_wait3A_298[%mul3A_2, %dma_wait3A_299] : memref<32768x1024xf32, #tpu.memory_space<hbm>> -> memref<16x1024xf32, #tpu.memory_space<hbm>>
        tpu.wait_dma2 semaphore(%arg25 : memref<!tpu.dma_semaphore, #tpu.memory_space<semaphore_mem>>) src(%arg11 : memref<16x1024xf32, #tpu.memory_space<vmem>>) dst(%dma_wait3A_300 : memref<16x1024xf32, #tpu.memory_space<hbm>>)
      } else {
      }
      %add3A_288 = arith.constant 5 : i32
      %add3A_289 = arith.addi %add3A_267, %add3A_288 : i32
      %lt3A_290 = arith.constant 64 : i32
      %lt3A_291 = arith.cmpi slt, %add3A_289, %lt3A_290 : i32
      %convert_element_type3A_292 = arith.extui %lt3A_291 : i1 to i32
      %cond3A_293 = arith.constant 0 : i32
      %cond3A_294 = arith.cmpi ne, %convert_element_type3A_292, %cond3A_293 : i32
      scf.if %cond3A_294 {
        %add3A_295 = arith.constant 5 : i32
        %add3A_296 = arith.addi %add3A_267, %add3A_295 : i32
        %mul3A_297 = arith.constant 16 : i32
        %mul3A_298 = arith.muli %add3A_296, %mul3A_297 : i32
        %multiple_of3A_299 = tpu.assume_multiple %mul3A_298, 8 : i32
        %dma_start3A_300 = tpu.memref_slice %arg5[%multiple_of3A_299] : memref<1024xi32, #tpu.memory_space<vmem>> -> memref<16xi32, #tpu.memory_space<vmem>>
        %dma_start3A_301 = arith.constant 0 : i32
        %dma_start3A_302 = arith.constant 0 : i32
        %dma_start3A_303 = tpu.memref_slice %arg3[%dma_start3A_301, %dma_start3A_302] : memref<8192x1024xf32, #tpu.memory_space<hbm>> -> memref<8192x1024xf32, #tpu.memory_space<hbm>>
        tpu.enqueue_indirect_dma source(%dma_start3A_303 : memref<8192x1024xf32, #tpu.memory_space<hbm>>) target(%arg11 : memref<16x1024xf32, #tpu.memory_space<vmem>>) offsets(%dma_start3A_300 : memref<16xi32, #tpu.memory_space<vmem>>) semaphore(%arg18 : memref<!tpu.dma_semaphore, #tpu.memory_space<semaphore_mem>>)
      } else {
      }
    }
    %scan3A_54 = arith.constant 9 : i32
    %dma_wait3A_55 = tpu.memref_reshape %arg4 : memref<8192x4x1024xf32, #tpu.memory_space<hbm>> -> memref<32768x1024xf32, #tpu.memory_space<hbm>>
    %dma_wait3A_56 = arith.constant 0 : i32
    %dma_wait3A_57 = tpu.memref_slice %dma_wait3A_55[%mul3A_2, %dma_wait3A_56] : memref<32768x1024xf32, #tpu.memory_space<hbm>> -> memref<16x1024xf32, #tpu.memory_space<hbm>>
    %dma_wait3A_58 = tpu.memref_reshape %arg4 : memref<8192x4x1024xf32, #tpu.memory_space<hbm>> -> memref<32768x1024xf32, #tpu.memory_space<hbm>>
    %dma_wait3A_59 = arith.constant 0 : i32
    %dma_wait3A_60 = tpu.memref_slice %dma_wait3A_58[%mul3A_2, %dma_wait3A_59] : memref<32768x1024xf32, #tpu.memory_space<hbm>> -> memref<16x1024xf32, #tpu.memory_space<hbm>>
    tpu.wait_dma2 semaphore(%arg26 : memref<!tpu.dma_semaphore, #tpu.memory_space<semaphore_mem>>) src(%arg12 : memref<16x1024xf32, #tpu.memory_space<vmem>>) dst(%dma_wait3A_60 : memref<16x1024xf32, #tpu.memory_space<hbm>>)
    %dma_wait3A_61 = tpu.memref_reshape %arg4 : memref<8192x4x1024xf32, #tpu.memory_space<hbm>> -> memref<32768x1024xf32, #tpu.memory_space<hbm>>
    %dma_wait3A_62 = arith.constant 0 : i32
    %dma_wait3A_63 = tpu.memref_slice %dma_wait3A_61[%mul3A_2, %dma_wait3A_62] : memref<32768x1024xf32, #tpu.memory_space<hbm>> -> memref<16x1024xf32, #tpu.memory_space<hbm>>
    %dma_wait3A_64 = tpu.memref_reshape %arg4 : memref<8192x4x1024xf32, #tpu.memory_space<hbm>> -> memref<32768x1024xf32, #tpu.memory_space<hbm>>
    %dma_wait3A_65 = arith.constant 0 : i32
    %dma_wait3A_66 = tpu.memref_slice %dma_wait3A_64[%mul3A_2, %dma_wait3A_65] : memref<32768x1024xf32, #tpu.memory_space<hbm>> -> memref<16x1024xf32, #tpu.memory_space<hbm>>
    tpu.wait_dma2 semaphore(%arg20 : memref<!tpu.dma_semaphore, #tpu.memory_space<semaphore_mem>>) src(%arg6 : memref<16x1024xf32, #tpu.memory_space<vmem>>) dst(%dma_wait3A_66 : memref<16x1024xf32, #tpu.memory_space<hbm>>)
    return
  }
}

</mosaic_0001>

<sc_bundles>
// kernel: kernel.3.cloned.1.call-start
scs
__scs_entry_jumppad:
0x0: {  	(pc) =	sbr.rel $0x88, $3  }
0x1: {  	(tag) =	ssettag $0x0;
	lr =	simm.s32 $0x1  }
0x2: {  	[smem:$0x3F9F] =	sst lr;
	_ =	strace $0xD0000000  }
0x3: {  	_ = 	snop  }
0x4: {  	_ = 	snop  }
0x5: {  	_ = 	snop  }
0x6: {  	_ = 	snop  }
0x7: {  	_ = 	snop  }
__scs_overlays_trampoline_lowered:
0x8: {  	[smem:$0x3FAE] =	sst s0  }
0x9: {  	[smem:$0x3FAF] =	sst s1  }
0xa: {  	[smem:$0x3FB0] =	sst s2  }
0xb: {  	[smem:$0x3FB1] =	sst s3  }
0xc: {  	[smem:$0x3FB2] =	sst s4  }
0xd: {  	[smem:$0x3FB3] =	sst s5  }
0xe: {  	[smem:$0x3FB4] =	sst s6  }
0xf: {  	[smem:$0x3FB5] =	sst s7  }
0x10: {  	[smem:$0x3FB6] =	sst s8  }
0x11: {  	[smem:$0x3FB7] =	sst s9;
	s0 =	simm.s32 @!p0 $0x0  }
0x12: {  	s1 =	sld [smem:$0x3F9D];
	s0 =	simm.s32 @p0 $0x1  }
0x13: {  	[smem:$0x3FB8] =	sst s0;
	s0 =	simm.s32 @!p1 $0x0  }
0x14: {  	s2 =	sld [smem:$0x3F9C];
	s0 =	simm.s32 @p1 $0x1  }
0x15: {  	[smem:$0x3FB9] =	sst s0;
	s0 =	simm.s32 @!p2 $0x0  }
0x16: {  	s3 =	sld [smem:$0x3FDB];
	s0 =	simm.s32 @p2 $0x1  }
0x17: {  	s4 =	simm.s32 $0x1BF5;
	[smem:$0x3FBB] =	sst s0  }
0x18: {  	s0 =	sld [smem:$0x3F9E];
	_ =	swait.ge [sflag:s4], $0x0  }
0x19: {  	s7 =	sld [smem:$0x3F9F]  }
0x1a: {  	s8 =	sadd.s32 $0xFFFFE003, lr  }
0x1b: {  	s9 =	sadd.s32 $0xFFFFFEF7, lr;
	s5 =	simm.s32 $0xFFFFFFFF;
	p2 =	slt.u32 s8, $0xFFFFF086  }
0x1c: {  	p1 =	slt.u32 s9, $0xF7A;
	s5 =	simm.s32 @!p2 $0x0  }
0x1d: {  	s5 =	simm.s32 @p1 $0x1;
	p0 =	seq.s32 s7, s2  }
0x1e: {  	s7 =	smul.u32 @!p0 $0xF7A, s2;
	p2 =	seq.s32 @!p0 s5, $0x0  }
0x1f: {  	s9 =	smul.u32 $0xF7A, s1;
	s8 =	simm.s32 @!p0 $0x1BF5;
	p2 =	por !p2, p0  }
0x20: {  	[sflag:s8] =	ssyncset.s32 @!p0 $0xFFFFF086;
	s6 =	sadd.s32 @!p0 s3, s7;
	s7 =	simm.s32 @!p0 $0x108  }
0x21: {  	s3 =	sadd.s32 s3, s9;
	s6 =	sadd.s32 @!p0 $0x88, s6;
	s7 =	simm.s32 @p2 $0x1082  }
0x22: {  	[simem:s7], [sflag:s8] =	dma.local @!p0 [hbm:s6], $0xF7A  }
0x23: {  	s9 =	sor.u32 $0xD0000000, s2;
	s6 =	simm.s32 $0x108;
	_ =	swait.ge @!p0 [sflag:s8], $0x0  }
0x24: {  	s3 =	sadd.s32 $0x88, s3;
	s6 =	simm.s32 @!p1 $0x1082;
	[sflag:s4] =	ssyncset.s32 $0xFFFFF086  }
0x25: {  	[simem:s6], [sflag:s4] =	dma.local [hbm:s3], $0xF7A  }
0x26: {  	[smem:$0x3F9F] =	sst s1;
	(tag) =	ssettag s2;
	_ =	strace s9  }
0x27: {  	s1 =	sld [smem:$0x3FAF]  }
0x28: {  	s2 =	sld [smem:$0x3FB0]  }
0x29: {  	s4 =	sld [smem:$0x3FB2]  }
0x2a: {  	p0 =	seq.s32 s5, $0x0;
	s5 =	sld [smem:$0x3FB3]  }
0x2b: {  	s6 =	sld [smem:$0x3FB4]  }
0x2c: {  	s7 =	sld [smem:$0x3FB5]  }
0x2d: {  	s3 =	simm.s32 $0x108;
	s8 =	sld [smem:$0x3FB6]  }
0x2e: {  	s3 =	simm.s32 @!p0 $0x1082;
	s9 =	sld [smem:$0x3FB7]  }
0x2f: {  	lr =	sadd.s32 s0, s3;
	s0 =	sld [smem:$0x3FAE]  }
0x30: {  	s3 =	sld [smem:$0x3FB1]  }
0x31: {  	[smem:$0x3FBA] =	sst s10  }
0x32: {  	s10 =	sld [smem:$0x3FB8];
	_ =	sdelay $0x3  }
0x33: {  	p0 =	seq.s32 s10, $0x1;
	s10 =	sld [smem:$0x3FBA];
	_ =	sdelay $0x3  }
0x34: {  	[smem:$0x3FBA] =	sst s10  }
0x35: {  	s10 =	sld [smem:$0x3FB9];
	_ =	sdelay $0x3  }
0x36: {  	p1 =	seq.s32 s10, $0x1;
	s10 =	sld [smem:$0x3FBA];
	_ =	sdelay $0x3  }
0x37: {  	[smem:$0x3FBA] =	sst s10  }
0x38: {  	s10 =	sld [smem:$0x3FBB]  }
0x39: {  	_ = 	snop;
	(pc) =	sbr.ind lr, $3  }
0x3a: {  	_ = 	snop  }
0x3b: {  	_ = 	snop  }
0x3c: {  	p2 =	seq.s32 s10, $0x1;
	s10 =	sld [smem:$0x3FBA]  }
0x3d: {  	_ =	shalt  }
0x3e: {  	_ =	shalt  }
0x3f: {  	_ =	shalt  }
0x40: {  	_ =	shalt  }
0x41: {  	_ =	shalt  }
0x42: {  	_ =	shalt  }
0x43: {  	_ =	shalt  }
0x44: {  	_ =	shalt  }
0x45: {  	_ =	shalt  }
0x46: {  	_ =	shalt  }
0x47: {  	_ =	shalt  }
0x48: {  	_ =	shalt  }
0x49: {  	_ =	shalt  }
0x4a: {  	_ =	shalt  }
0x4b: {  	_ =	shalt  }
0x4c: {  	_ =	shalt  }
0x4d: {  	_ =	shalt  }
0x4e: {  	_ =	shalt  }
0x4f: {  	_ =	shalt  }
0x50: {  	_ =	shalt  }
0x51: {  	_ =	shalt  }
0x52: {  	_ =	shalt  }
0x53: {  	_ =	shalt  }
0x54: {  	_ =	shalt  }
0x55: {  	_ =	shalt  }
0x56: {  	_ =	shalt  }
0x57: {  	_ =	shalt  }
0x58: {  	_ =	shalt  }
0x59: {  	_ =	shalt  }
0x5a: {  	_ =	shalt  }
0x5b: {  	_ =	shalt  }
0x5c: {  	_ =	shalt  }
0x5d: {  	_ =	shalt  }
0x5e: {  	_ =	shalt  }
0x5f: {  	_ =	shalt  }
0x60: {  	_ =	shalt  }
0x61: {  	_ =	shalt  }
0x62: {  	_ =	shalt  }
0x63: {  	_ =	shalt  }
0x64: {  	_ =	shalt  }
0x65: {  	_ =	shalt  }
0x66: {  	_ =	shalt  }
0x67: {  	_ =	shalt  }
0x68: {  	_ =	shalt  }
0x69: {  	_ =	shalt  }
0x6a: {  	_ =	shalt  }
0x6b: {  	_ =	shalt  }
0x6c: {  	_ =	shalt  }
0x6d: {  	_ =	shalt  }
0x6e: {  	_ =	shalt  }
0x6f: {  	_ =	shalt  }
0x70: {  	_ =	shalt  }
0x71: {  	_ =	shalt  }
0x72: {  	_ =	shalt  }
0x73: {  	_ =	shalt  }
0x74: {  	_ =	shalt  }
0x75: {  	_ =	shalt  }
0x76: {  	_ =	shalt  }
0x77: {  	_ =	shalt  }
0x78: {  	_ =	shalt  }
0x79: {  	_ =	shalt  }
0x7a: {  	_ =	shalt  }
0x7b: {  	_ =	shalt  }
0x7c: {  	_ =	shalt  }
0x7d: {  	_ =	shalt  }
0x7e: {  	_ =	shalt  }
0x7f: {  	_ =	shalt  }
0x80: {  	_ =	shalt  }
0x81: {  	_ =	shalt  }
0x82: {  	_ =	shalt  }
0x83: {  	_ =	shalt  }
0x84: {  	_ =	shalt  }
0x85: {  	_ =	shalt  }
0x86: {  	_ =	shalt  }
0x87: {  	_ =	shalt  }
.Lfunc_end0:
.L_simem_size_0:
called_computation_lowered:
.L_overlay_start_0:
0x88: {  	s2 =	sld [smem:$0x3FD9]  }
0x89: {  	s3 =	sld [smem:$0x3FFE];
	_ =	sdelay $0x1  }
0x8a: {  	s1 =	srdreg.scid  }
0x8b: {  	s0 =	sand.u32 $0x1, s1  }
0x8c: {  	s17 =	sshll.u32 s0, $0xA;
	s2 =	sadd.s32 s3, s2  }
0x8d: {  	s2 =	sadd.s32 s2, s17  }
0x8e: {  	[smem:$0x3FC6] =	sst s2  }
0x8f: {  	_ = 	snop  }
0x90: {  	s2 =	sld [smem:$0x3FC8]  }
0x91: {  	s18 =	sld [smem:$0x3FD0];
	(tm) =	ssettm $0x1  }
0x92: {  	s4 =	sld [smem:$0x3FFB];
	_ =	sdelay $0x3  }
0x93: {  	_ =	strace s4  }
0x94: {  	s4 =	sld [smem:$0x3FFC];
	_ =	sdelay $0x3  }
0x95: {  	_ =	strace s4  }
0x96: {  	s4 =	sld [smem:$0x3FFD];
	_ =	sdelay $0x3  }
0x97: {  	_ =	strace s4  }
0x98: {  	_ =	strace $0x8FFFFFFF  }
0x99: {  	s19 =	sld [smem:$0x3FDB];
	_ =	sdelay $0x1  }
0x9a: {  	s5 =	simm.s32 $_scs_section_size  }
0x9b: {  	s6 =	simm.s32 $_size__tile_overlayer_lowered;
	s7 =	simm.s32 $_tile_overlayer_lowered  }
0x9c: {  	s22 =	simm.s32 $0x1BFF;
	s21 =	sshll.u32 s7, $0x1;
	s4 =	sadd.s32 s5, s19  }
0x9d: {  	s8 =	simm.s32 $0x0;
	s20 =	sshll.u32 s6, $0x1;
	s6 =	sadd.s32 s21, s4  }
0x9e: {  	[timem:s8], [sflag:s22] =	dma.local [hbm:s6], s20  }
0x9f: {  	_ =	swait.ge [sflag:s22], s20  }
0xa0: {  	s5 =	ssub.s32 $0x0, s20;
	[sflag:s22] =	ssyncset.done $0x0  }
0xa1: {  	[sflag:s22] =	ssyncadd.s32 s5;
	_ =	sdelay $0x1  }
0xa2: {  	s23 =	simm.s32 $0x1B8B  }
0xa3: {  	_ =	swait.ge [sflag:s23], $0x1  }
0xa4: {  	[sflag:s23] =	ssyncset.done $0x0  }
0xa5: {  	s25 =	simm.s32 $0x1B8E;
	s24 =	sld [smem:$0x3FFE];
	[sflag:s23] =	ssyncadd.s32 $0xFFFFFFFF  }
0xa6: {  	s26 =	simm.s32 $execute0_lowered;
	[smem:$0x3FD2] =	sst s25  }
0xa7: {  	s6 =	sshll.u32 s26, $0x1;
	_ =	strace $0x80000046;
	[dreg:$0x1] =	wrdreg $0xFFFFFFFF  }
0xa8: {  	s28 =	simm.s32 $_size_execute0_lowered;
	s4 =	sadd.s32 s4, s6;
	[dreg:$0x0] =	wrdreg $0x0  }
0xa9: {  	s6 =	sshll.u32 s28, $0x1;
	[dreg:$0x2] =	wrdreg s4  }
0xaa: {  	[dreg:$0x3] =	wrdreg s6  }
0xab: {  	[dreg:$0x4] =	wrdreg $0xC0  }
0xac: {  	_ =	task [dreg:s8], $0x5FFFF  }
0xad: {  	[dreg:$0x1] =	wrdreg $0xFFFFFFFF  }
0xae: {  	[dreg:$0x0] =	wrdreg $0x60  }
0xaf: {  	[dreg:$0x2] =	wrdreg s24  }
0xb0: {  	[dreg:$0x3] =	wrdreg s2  }
0xb1: {  	[dreg:$0x4] =	wrdreg s18  }
0xb2: {  	[dreg:$0x5] =	wrdreg $0x9  }
0xb3: {  	_ =	task.clear_ibuf [dreg:s8], $0x6FFFF;
	_ =	strace $0x90000046  }
0xb4: {  	s29 =	simm.s32 $0x9;
	_ =	strace $0x80000048  }
0xb5: {  	_ =	swait.ge [sflag:s29], $0x1  }
0xb6: {  	[sflag:s29] =	ssyncadd.s32 $0xFFFFFFFF  }
0xb7: {  	_ =	strace $0x90000048  }
0xb8: {  	_ =	sfence  }
0xb9: {  	s30 =	sld [smem:$0x0];
	_ =	sdelay $0x2  }
0xba: {  	s31 =	sshll.u32 s1, $0xD;
	s1 =	sshrl.u32 s1, $0x2  }
0xbb: {  	s3 =	sand.u32 $0x4000, s31;
	s1 =	sadd.s32 s1, s30  }
0xbc: {  	s0 =	sor.u32 s3, s0;
	s1 =	sshll.u32 s1, $0x11  }
0xbd: {  	s0 =	sor.u32 s1, s0  }
0xbe: {  	s0 =	sadd.s32 $0x8F2B, s0  }
0xbf: {  	[sflag:s0] =	ssyncadd.remote.s32 $0x1  }
0xc0: {  	_ =	sfence.sel $0xFFFF  }
0xc1: {  	[dreg:$0x0] =	wrdreg $0xFFFFFFFF;
	(pc) =	sbr.abs _section_cstart, $3  }
0xc2: {  	[dreg:$0x1] =	wrdreg $0xFFFFFFFF  }
0xc3: {  	_ =	task.clear_ibuf [dreg:s8], $0x2FFFF;
	_ =	strace $0x9FFFFFFF  }
0xc4: {  	(tm) =	ssettm $0x7FFFFFFF  }
0xc5: {  	_ =	shalt  }
tec
execute0_lowered:
.L_overlay_start_1:
0x0: {  	(tag) =	ssettag $0x1  }
0x1: {  	s0 =	rddreg [dreg:$0x0];
	s1 =	srdreg.scid  }
0x2: {  	s2 =	rddreg [dreg:$0x1];
	s11 =	stileid.u32  }
0x3: {  	s4 =	rddreg [dreg:$0x2];
	s3 =	simm.s32 $0x0;
	s22 =	simm.s32 $0x200  }
0x4: {  	s28 =	simm.s32 $0x14400;
	s29 =	simm.s32 $0x14C00;
	s30 =	simm.s32 $0x15400  }
0x5: {  	s31 =	simm.s32 $0x15C00;
	s12 =	simm.s32 $0xD;
	s17 =	simm.s32 $0x18400  }
0x6: {  	s18 =	simm.s32 $0x18C00;
	s19 =	simm.s32 $0x19400;
	s20 =	simm.s32 $0x19C00  }
0x7: {  	s16 =	simm.s32 $0x1A400;
	s1 =	sand.u32 $0x1, s1;
	s5 =	sshll.u32 s11, $0xB  }
0x8: {  	[smem:$0x7FF] =	sst s3;
	s25 =	sshll.u32 s11, $0x15;
	s7 =	sadd.s32 $0x300, s2  }
0x9: {  	s26 =	sshll.u32 s11, $0x12;
	s6 =	sshll.u32 s1, $0xA;
	s23 =	ssub.s32 $0x2, s1  }
0xa: {  	_ =	strace $0x80000047;
	s10 =	sshll.u32 s1, $0x14;
	s1 =	sshll.u32 s1, $0x11  }
0xb: {  	s8 =	sor.u32 s6, s5;
	s24 =	sshrl.u32 s23, $0x1;
	s6 =	sadd.s32 $0x200, s2  }
0xc: {  	s5 =	sshrl.u32 s8, $0x3;
	s9 =	ssub.s32 s23, s24;
	s8 =	sshll.u32 s8, $0x7  }
0xd: {  	s23 =	simm.s32 $0x1000;
	s0 =	sadd.s32 s5, s0;
	s5 =	sadd.s32 $0x100, s2  }
0xe: {  	s8 =	sadd.s32 s4, s8;
	s9 =	smax.u32 s9, $0x1;
	s0 =	sadd.s32 $0x400, s0  }
.Ltmp0:
0xf: {  	[dreg:$0x4] =	wrdreg s0;
	s0 =	sor.u32 s10, s25;
	(pc) =	sbr.rel .LBB2_1-.Ltmp0, $4  }
0x10: {  	[dreg:$0x5] =	wrdreg s8;
	s8 =	sadd.s32 s26, s4;
	s0 =	sor.u32 $0x8000, s0  }
0x11: {  	v2 =	vlaneseq.u32;
	[dreg:$0x6] =	wrdreg s9;
	s1 =	sadd.s32 s1, s8;
	s0 =	sshrl.u32 s0, $0x3  }
0x12: {  	vm0 =	vmmov $0xffff;
	v1 =	vshrl.u32 v2, $0x3;
	s9 =	simm.s32 $0xC;
	[dreg:$0x7] =	wrdreg s1;
	s0 =	sadd.s32 s0, s4  }
0x13: {  	v0 =	vand.u32 $0x7, v2;
	v2 =	vor.u32 $0x8, v2;
	v1 =	vmul.u32 $0x8, v1;
	s1 =	simm.s32 $0x0;
	s4 =	simm.s32 $0x1BC00;
	[dreg:$0x8] =	wrdreg s0  }
.LBB2_4:
0x14: {  	s0 =	simm.s32 $0xE  }
0x15: {  	_ =	swait.ge [sflag:s0], $0x4000  }
0x16: {  	[sflag:s0] =	ssyncset.done $0x0  }
0x17: {  	s26 =	simm.s32 $0x8;
	[sflag:s0] =	ssyncadd.s32 $0xFFFFC000  }
0x18: {  	_ =	swait.ge [sflag:s26], $0x4000  }
0x19: {  	s1 =	rddreg [dreg:$0x9]  }
0x1a: {  	s8 =	rddreg [dreg:$0x6];
	s1 =	sadd.s32 $0x1, s1  }
0x1b: {  	p0 =	sne.s32 s1, s8  }
.Ltmp1:
0x1c: {  	_ = 	snop;
	(pc) =	sbr.rel @!p0 .LBB2_5-.Ltmp1, $3  }
0x1d: {  	_ =	sdelay $0x1  }
0x1e: {  	s28 =	simm.s32 $0x14400;
	s29 =	simm.s32 $0x14C00;
	[sflag:s26] =	ssyncset.done $0x0  }
0x1f: {  	s30 =	simm.s32 $0x15400;
	s31 =	simm.s32 $0x15C00;
	[sflag:s26] =	ssyncadd.s32 $0xFFFFC000  }
.LBB2_1:
0x20: {  	[dreg:$0x9] =	wrdreg s1  }
0x21: {  	s8 =	rddreg [dreg:$0x4];
	s26 =	simm.s32 $0xF  }
0x22: {  	[tilespmem:s3], [sflag:$0xF] =	stream.linear.gather [hbm4b:s8+s3], $0x400, $0x38;
	[tilespmem:$0x1C400] =	vst v63  }
0x23: {  	_ =	swait.ge [sflag:s26], $0x400  }
0x24: {  	[sflag:s26] =	ssyncset.done $0x0  }
0x25: {  	[sflag:s26] =	ssyncadd.s32 $0xFFFFFC00  }
0x26: {  	v3 =	vld [tilespmem:$0x0];
	_ =	sdelay $0x4  }
0x27: {  	v4 =	vshll.u32 v3, $0x3  }
0x28: {  	v3 =	vand.u32 $0x7, v3;
	v4 =	vand.u32 $0xFFFFFFC0, v4  }
0x29: {  	v3 =	vor.u32 v3, v4  }
0x2a: {  	v4 =	vperm.xlane v3, v0;
	_ =	sdelay $0x1  }
0x2b: {  	v4 =	vadd.s32 v1, v4;
	_ =	sdelay $0x3  }
0x2c: {  	s8 =	simm.s32 $0x400  }
0x2d: {  	[tilespmem:s8], [sflag:$0x1] =	stream.indirect_vreg.gather [hbm4b:s2+s3], $0x80, v4, vm0, $0xb8;
	[tilespmem:$0x1C400] =	vst v63  }
0x2e: {  	s25 =	simm.s32 $0xC00;
	v3 =	vperm.xlane v3, v2  }
0x2f: {  	[tilespmem:s25], [sflag:$0x1] =	stream.indirect_vreg.gather [hbm4b:s5+s3], $0x80, v4, vm0, $0xb8;
	[tilespmem:$0x1C400] =	vst v63  }
0x30: {  	s10 =	simm.s32 $0x1400;
	v3 =	vadd.s32 v1, v3  }
0x31: {  	[tilespmem:s10], [sflag:$0x1] =	stream.indirect_vreg.gather [hbm4b:s6+s3], $0x80, v4, vm0, $0xb8;
	[tilespmem:$0x1C400] =	vst v63  }
0x32: {  	s11 =	simm.s32 $0x1C00  }
0x33: {  	[tilespmem:s11], [sflag:$0x1] =	stream.indirect_vreg.gather [hbm4b:s7+s3], $0x80, v4, vm0, $0xb8;
	[tilespmem:$0x1C400] =	vst v63  }
0x34: {  	s13 =	simm.s32 $0x2400  }
0x35: {  	[tilespmem:s13], [sflag:$0x1] =	stream.indirect_vreg.gather [hbm4b:s2+s3], $0x80, v3, vm0, $0xb8;
	[tilespmem:$0x1C400] =	vst v63  }
0x36: {  	s14 =	simm.s32 $0x2C00  }
0x37: {  	[tilespmem:s14], [sflag:$0x1] =	stream.indirect_vreg.gather [hbm4b:s5+s3], $0x80, v3, vm0, $0xb8;
	[tilespmem:$0x1C400] =	vst v63  }
0x38: {  	s26 =	simm.s32 $0x3400  }
0x39: {  	[tilespmem:s26], [sflag:$0x1] =	stream.indirect_vreg.gather [hbm4b:s6+s3], $0x80, v3, vm0, $0xb8;
	[tilespmem:$0x1C400] =	vst v63  }
0x3a: {  	s21 =	simm.s32 $0x3C00  }
0x3b: {  	[tilespmem:s21], [sflag:$0x1] =	stream.indirect_vreg.gather [hbm4b:s7+s3], $0x80, v3, vm0, $0xb8;
	[tilespmem:$0x1C400] =	vst v63  }
0x3c: {  	v3 =	vld [tilespmem:$0x10];
	_ =	sdelay $0x4  }
0x3d: {  	v59 =	vshll.u32 v3, $0x3  }
0x3e: {  	v3 =	vand.u32 $0x7, v3;
	v4 =	vand.u32 $0xFFFFFFC0, v59  }
0x3f: {  	v3 =	vor.u32 v3, v4  }
0x40: {  	v4 =	vperm.xlane v3, v0;
	_ =	sdelay $0x1  }
0x41: {  	v4 =	vadd.s32 v1, v4;
	_ =	sdelay $0x3  }
0x42: {  	s24 =	simm.s32 $0x4400  }
0x43: {  	[tilespmem:s24], [sflag:$0x2] =	stream.indirect_vreg.gather [hbm4b:s2+s3], $0x80, v4, vm0, $0xb8;
	[tilespmem:$0x1C400] =	vst v63  }
0x44: {  	s0 =	simm.s32 $0x4C00;
	v3 =	vperm.xlane v3, v2  }
0x45: {  	[tilespmem:s0], [sflag:$0x2] =	stream.indirect_vreg.gather [hbm4b:s5+s3], $0x80, v4, vm0, $0xb8;
	[tilespmem:$0x1C400] =	vst v63  }
0x46: {  	s1 =	simm.s32 $0x5400;
	v3 =	vadd.s32 v1, v3  }
0x47: {  	[tilespmem:s1], [sflag:$0x2] =	stream.indirect_vreg.gather [hbm4b:s6+s3], $0x80, v4, vm0, $0xb8;
	[tilespmem:$0x1C400] =	vst v63  }
0x48: {  	s15 =	simm.s32 $0x5C00  }
0x49: {  	[tilespmem:s15], [sflag:$0x2] =	stream.indirect_vreg.gather [hbm4b:s7+s3], $0x80, v4, vm0, $0xb8;
	[tilespmem:$0x1C400] =	vst v63  }
0x4a: {  	s0 =	simm.s32 $0x6400  }
0x4b: {  	[tilespmem:s0], [sflag:$0x2] =	stream.indirect_vreg.gather [hbm4b:s2+s3], $0x80, v3, vm0, $0xb8;
	[tilespmem:$0x1C400] =	vst v63  }
0x4c: {  	s1 =	simm.s32 $0x6C00  }
0x4d: {  	[tilespmem:s1], [sflag:$0x2] =	stream.indirect_vreg.gather [hbm4b:s5+s3], $0x80, v3, vm0, $0xb8;
	[tilespmem:$0x1C400] =	vst v63  }
0x4e: {  	s15 =	simm.s32 $0x7400  }
0x4f: {  	[tilespmem:s15], [sflag:$0x2] =	stream.indirect_vreg.gather [hbm4b:s6+s3], $0x80, v3, vm0, $0xb8;
	[tilespmem:$0x1C400] =	vst v63  }
0x50: {  	s0 =	simm.s32 $0x7C00  }
0x51: {  	[tilespmem:s0], [sflag:$0x2] =	stream.indirect_vreg.gather [hbm4b:s7+s3], $0x80, v3, vm0, $0xb8;
	[tilespmem:$0x1C400] =	vst v63  }
0x52: {  	v3 =	vld [tilespmem:$0x20];
	_ =	sdelay $0x4  }
0x53: {  	v60 =	vshll.u32 v3, $0x3  }
0x54: {  	v3 =	vand.u32 $0x7, v3;
	v4 =	vand.u32 $0xFFFFFFC0, v60  }
0x55: {  	v3 =	vor.u32 v3, v4  }
0x56: {  	v4 =	vperm.xlane v3, v0;
	_ =	sdelay $0x1  }
0x57: {  	v4 =	vadd.s32 v1, v4;
	_ =	sdelay $0x3  }
0x58: {  	s1 =	simm.s32 $0x8400  }
0x59: {  	[tilespmem:s1], [sflag:$0x3] =	stream.indirect_vreg.gather [hbm4b:s2+s3], $0x80, v4, vm0, $0xb8;
	[tilespmem:$0x1C400] =	vst v63  }
0x5a: {  	s15 =	simm.s32 $0x8C00;
	v3 =	vperm.xlane v3, v2  }
0x5b: {  	[tilespmem:s15], [sflag:$0x3] =	stream.indirect_vreg.gather [hbm4b:s5+s3], $0x80, v4, vm0, $0xb8;
	[tilespmem:$0x1C400] =	vst v63  }
0x5c: {  	s0 =	simm.s32 $0x9400;
	v3 =	vadd.s32 v1, v3  }
0x5d: {  	[tilespmem:s0], [sflag:$0x3] =	stream.indirect_vreg.gather [hbm4b:s6+s3], $0x80, v4, vm0, $0xb8;
	[tilespmem:$0x1C400] =	vst v63  }
0x5e: {  	s1 =	simm.s32 $0x9C00  }
0x5f: {  	[tilespmem:s1], [sflag:$0x3] =	stream.indirect_vreg.gather [hbm4b:s7+s3], $0x80, v4, vm0, $0xb8;
	[tilespmem:$0x1C400] =	vst v63  }
0x60: {  	s15 =	simm.s32 $0xA400  }
0x61: {  	[tilespmem:s15], [sflag:$0x3] =	stream.indirect_vreg.gather [hbm4b:s2+s3], $0x80, v3, vm0, $0xb8;
	[tilespmem:$0x1C400] =	vst v63  }
0x62: {  	s0 =	simm.s32 $0xAC00  }
0x63: {  	[tilespmem:s0], [sflag:$0x3] =	stream.indirect_vreg.gather [hbm4b:s5+s3], $0x80, v3, vm0, $0xb8;
	[tilespmem:$0x1C400] =	vst v63  }
0x64: {  	s1 =	simm.s32 $0xB400  }
0x65: {  	[tilespmem:s1], [sflag:$0x3] =	stream.indirect_vreg.gather [hbm4b:s6+s3], $0x80, v3, vm0, $0xb8;
	[tilespmem:$0x1C400] =	vst v63  }
0x66: {  	s15 =	simm.s32 $0xBC00  }
0x67: {  	[tilespmem:s15], [sflag:$0x3] =	stream.indirect_vreg.gather [hbm4b:s7+s3], $0x80, v3, vm0, $0xb8;
	[tilespmem:$0x1C400] =	vst v63  }
0x68: {  	v3 =	vld [tilespmem:$0x30];
	_ =	sdelay $0x4  }
0x69: {  	v61 =	vshll.u32 v3, $0x3  }
0x6a: {  	v3 =	vand.u32 $0x7, v3;
	v4 =	vand.u32 $0xFFFFFFC0, v61  }
0x6b: {  	v3 =	vor.u32 v3, v4  }
0x6c: {  	v4 =	vperm.xlane v3, v0;
	_ =	sdelay $0x1  }
0x6d: {  	v4 =	vadd.s32 v1, v4;
	_ =	sdelay $0x3  }
0x6e: {  	s0 =	simm.s32 $0xC400  }
0x6f: {  	[tilespmem:s0], [sflag:$0x4] =	stream.indirect_vreg.gather [hbm4b:s2+s3], $0x80, v4, vm0, $0xb8;
	[tilespmem:$0x1C400] =	vst v63  }
0x70: {  	s1 =	simm.s32 $0xCC00;
	v3 =	vperm.xlane v3, v2  }
0x71: {  	[tilespmem:s1], [sflag:$0x4] =	stream.indirect_vreg.gather [hbm4b:s5+s3], $0x80, v4, vm0, $0xb8;
	[tilespmem:$0x1C400] =	vst v63  }
0x72: {  	s15 =	simm.s32 $0xD400;
	v3 =	vadd.s32 v1, v3  }
0x73: {  	[tilespmem:s15], [sflag:$0x4] =	stream.indirect_vreg.gather [hbm4b:s6+s3], $0x80, v4, vm0, $0xb8;
	[tilespmem:$0x1C400] =	vst v63  }
0x74: {  	s0 =	simm.s32 $0xDC00  }
0x75: {  	[tilespmem:s0], [sflag:$0x4] =	stream.indirect_vreg.gather [hbm4b:s7+s3], $0x80, v4, vm0, $0xb8;
	[tilespmem:$0x1C400] =	vst v63  }
0x76: {  	s1 =	simm.s32 $0xE400  }
0x77: {  	[tilespmem:s1], [sflag:$0x4] =	stream.indirect_vreg.gather [hbm4b:s2+s3], $0x80, v3, vm0, $0xb8;
	[tilespmem:$0x1C400] =	vst v63  }
0x78: {  	s15 =	simm.s32 $0xEC00  }
0x79: {  	[tilespmem:s15], [sflag:$0x4] =	stream.indirect_vreg.gather [hbm4b:s5+s3], $0x80, v3, vm0, $0xb8;
	[tilespmem:$0x1C400] =	vst v63  }
0x7a: {  	s0 =	simm.s32 $0xF400  }
0x7b: {  	[tilespmem:s0], [sflag:$0x4] =	stream.indirect_vreg.gather [hbm4b:s6+s3], $0x80, v3, vm0, $0xb8;
	[tilespmem:$0x1C400] =	vst v63  }
0x7c: {  	s1 =	simm.s32 $0xFC00  }
0x7d: {  	[tilespmem:s1], [sflag:$0x4] =	stream.indirect_vreg.gather [hbm4b:s7+s3], $0x80, v3, vm0, $0xb8;
	[tilespmem:$0x1C400] =	vst v63  }
0x7e: {  	v3 =	vld [tilespmem:$0x40];
	_ =	sdelay $0x4  }
0x7f: {  	v62 =	vshll.u32 v3, $0x3  }
0x80: {  	v3 =	vand.u32 $0x7, v3;
	v4 =	vand.u32 $0xFFFFFFC0, v62  }
0x81: {  	v3 =	vor.u32 v3, v4  }
0x82: {  	v4 =	vperm.xlane v3, v0;
	_ =	sdelay $0x1  }
0x83: {  	v4 =	vadd.s32 v1, v4;
	_ =	sdelay $0x3  }
0x84: {  	s15 =	simm.s32 $0x10400  }
0x85: {  	[tilespmem:s15], [sflag:$0x5] =	stream.indirect_vreg.gather [hbm4b:s2+s3], $0x80, v4, vm0, $0xb8;
	[tilespmem:$0x1C400] =	vst v63  }
0x86: {  	v3 =	vperm.xlane v3, v2;
	s15 =	simm.s32 $0x10C00  }
0x87: {  	[tilespmem:s15], [sflag:$0x5] =	stream.indirect_vreg.gather [hbm4b:s5+s3], $0x80, v4, vm0, $0xb8;
	[tilespmem:$0x1C400] =	vst v63  }
0x88: {  	s24 =	simm.s32 $0x11400;
	v3 =	vadd.s32 v1, v3  }
0x89: {  	[tilespmem:s24], [sflag:$0x5] =	stream.indirect_vreg.gather [hbm4b:s6+s3], $0x80, v4, vm0, $0xb8;
	[tilespmem:$0x1C400] =	vst v63  }
0x8a: {  	s0 =	simm.s32 $0x11C00  }
0x8b: {  	[tilespmem:s0], [sflag:$0x5] =	stream.indirect_vreg.gather [hbm4b:s7+s3], $0x80, v4, vm0, $0xb8;
	[tilespmem:$0x1C400] =	vst v63  }
0x8c: {  	s1 =	simm.s32 $0x12400  }
0x8d: {  	[tilespmem:s1], [sflag:$0x5] =	stream.indirect_vreg.gather [hbm4b:s2+s3], $0x80, v3, vm0, $0xb8;
	[tilespmem:$0x1C400] =	vst v63  }
0x8e: {  	s24 =	simm.s32 $0x12C00  }
0x8f: {  	[tilespmem:s24], [sflag:$0x5] =	stream.indirect_vreg.gather [hbm4b:s5+s3], $0x80, v3, vm0, $0xb8;
	[tilespmem:$0x1C400] =	vst v63  }
0x90: {  	s0 =	simm.s32 $0x13400  }
0x91: {  	[tilespmem:s0], [sflag:$0x5] =	stream.indirect_vreg.gather [hbm4b:s6+s3], $0x80, v3, vm0, $0xb8;
	[tilespmem:$0x1C400] =	vst v63  }
0x92: {  	s1 =	simm.s32 $0x13C00;
	s24 =	simm.s32 $0x1  }
0x93: {  	[tilespmem:s1], [sflag:$0x5] =	stream.indirect_vreg.gather [hbm4b:s7+s3], $0x80, v3, vm0, $0xb8;
	[tilespmem:$0x1C400] =	vst v63  }
0x94: {  	_ =	swait.ge [sflag:s24], $0x4000  }
0x95: {  	[sflag:s24] =	ssyncset.done $0x0  }
0x96: {  	[sflag:s24] =	ssyncadd.s32 $0xFFFFC000;
	s24 =	rddreg [dreg:$0x5]  }
0x97: {  	[hbm4b:s24+s22] =	stream.strided.scatter [tilespmem:s8], [sflag:$0x8], $0x400, s23, s22, $0x38;
	[tilespmem:$0x1C400] =	vst v63  }
0x98: {  	s1 =	simm.s32 $0x800;
	s0 =	sadd.s32 $0x40, s24  }
0x99: {  	[hbm4b:s0+s22] =	stream.strided.scatter [tilespmem:s1], [sflag:$0x8], $0x400, s23, s22, $0x38;
	[tilespmem:$0x1C400] =	vst v63  }
0x9a: {  	s15 =	sadd.s32 $0x80, s24  }
0x9b: {  	[hbm4b:s15+s22] =	stream.strided.scatter [tilespmem:s25], [sflag:$0x8], $0x400, s23, s22, $0x38;
	[tilespmem:$0x1C400] =	vst v63  }
0x9c: {  	s0 =	sadd.s32 $0xC0, s24  }
0x9d: {  	[hbm4b:s0+s22] =	stream.strided.scatter [tilespmem:s23], [sflag:$0x8], $0x400, s23, s22, $0x38;
	[tilespmem:$0x1C400] =	vst v63  }
0x9e: {  	s1 =	sadd.s32 $0x100, s24  }
0x9f: {  	[hbm4b:s1+s22] =	stream.strided.scatter [tilespmem:s10], [sflag:$0x8], $0x400, s23, s22, $0x38;
	[tilespmem:$0x1C400] =	vst v63  }
0xa0: {  	s15 =	simm.s32 $0x1800;
	s10 =	sadd.s32 $0x140, s24  }
0xa1: {  	[hbm4b:s10+s22] =	stream.strided.scatter [tilespmem:s15], [sflag:$0x8], $0x400, s23, s22, $0x38;
	[tilespmem:$0x1C400] =	vst v63  }
0xa2: {  	s25 =	sadd.s32 $0x180, s24  }
0xa3: {  	[hbm4b:s25+s22] =	stream.strided.scatter [tilespmem:s11], [sflag:$0x8], $0x400, s23, s22, $0x38;
	[tilespmem:$0x1C400] =	vst v63  }
0xa4: {  	s0 =	sadd.s32 $0x1C0, s24;
	s1 =	simm.s32 $0x2000  }
0xa5: {  	[hbm4b:s0+s22] =	stream.strided.scatter [tilespmem:s1], [sflag:$0x8], $0x400, s23, s22, $0x38;
	[tilespmem:$0x1C400] =	vst v63  }
0xa6: {  	s11 =	sadd.s32 $0x400, s24  }
0xa7: {  	[hbm4b:s11+s22] =	stream.strided.scatter [tilespmem:s13], [sflag:$0x8], $0x400, s23, s22, $0x38;
	[tilespmem:$0x1C400] =	vst v63  }
0xa8: {  	s15 =	simm.s32 $0x2800;
	s13 =	sadd.s32 $0x440, s24  }
0xa9: {  	[hbm4b:s13+s22] =	stream.strided.scatter [tilespmem:s15], [sflag:$0x8], $0x400, s23, s22, $0x38;
	[tilespmem:$0x1C400] =	vst v63  }
0xaa: {  	s25 =	sadd.s32 $0x480, s24  }
0xab: {  	[hbm4b:s25+s22] =	stream.strided.scatter [tilespmem:s14], [sflag:$0x8], $0x400, s23, s22, $0x38;
	[tilespmem:$0x1C400] =	vst v63  }
0xac: {  	s0 =	sadd.s32 $0x4C0, s24;
	s1 =	simm.s32 $0x3000  }
0xad: {  	[hbm4b:s0+s22] =	stream.strided.scatter [tilespmem:s1], [sflag:$0x8], $0x400, s23, s22, $0x38;
	[tilespmem:$0x1C400] =	vst v63  }
0xae: {  	s11 =	sadd.s32 $0x500, s24  }
0xaf: {  	[hbm4b:s11+s22] =	stream.strided.scatter [tilespmem:s26], [sflag:$0x8], $0x400, s23, s22, $0x38;
	[tilespmem:$0x1C400] =	vst v63  }
0xb0: {  	s13 =	sadd.s32 $0x540, s24;
	s14 =	simm.s32 $0x3800  }
0xb1: {  	[hbm4b:s13+s22] =	stream.strided.scatter [tilespmem:s14], [sflag:$0x8], $0x400, s23, s22, $0x38;
	[tilespmem:$0x1C400] =	vst v63  }
0xb2: {  	s15 =	sadd.s32 $0x580, s24  }
0xb3: {  	[hbm4b:s15+s22] =	stream.strided.scatter [tilespmem:s21], [sflag:$0x8], $0x400, s23, s22, $0x38;
	[tilespmem:$0x1C400] =	vst v63  }
0xb4: {  	s25 =	sadd.s32 $0x5C0, s24;
	s26 =	simm.s32 $0x4000  }
0xb5: {  	[hbm4b:s25+s22] =	stream.strided.scatter [tilespmem:s26], [sflag:$0x8], $0x400, s23, s22, $0x38;
	[tilespmem:$0x1C400] =	vst v63  }
0xb6: {  	v3 =	vld [tilespmem:$0x50];
	_ =	sdelay $0x4  }
0xb7: {  	v63 =	vshll.u32 v3, $0x3  }
0xb8: {  	v3 =	vand.u32 $0x7, v3;
	v4 =	vand.u32 $0xFFFFFFC0, v63  }
0xb9: {  	v3 =	vor.u32 v3, v4  }
0xba: {  	v4 =	vperm.xlane v3, v0;
	_ =	sdelay $0x1  }
0xbb: {  	v4 =	vadd.s32 v1, v4;
	_ =	sdelay $0x4  }
0xbc: {  	[tilespmem:s28], [sflag:$0x6] =	stream.indirect_vreg.gather [hbm4b:s2+s3], $0x80, v4, vm0, $0xb8;
	[tilespmem:$0x1C400] =	vst v63  }
0xbd: {  	v3 =	vperm.xlane v3, v2  }
0xbe: {  	[tilespmem:s29], [sflag:$0x6] =	stream.indirect_vreg.gather [hbm4b:s5+s3], $0x80, v4, vm0, $0xb8;
	[tilespmem:$0x1C400] =	vst v63  }
0xbf: {  	v3 =	vadd.s32 v1, v3  }
0xc0: {  	[tilespmem:s30], [sflag:$0x6] =	stream.indirect_vreg.gather [hbm4b:s6+s3], $0x80, v4, vm0, $0xb8;
	[tilespmem:$0x1C400] =	vst v63  }
0xc1: {  	_ = 	snop  }
0xc2: {  	[tilespmem:s31], [sflag:$0x6] =	stream.indirect_vreg.gather [hbm4b:s7+s3], $0x80, v4, vm0, $0xb8;
	[tilespmem:$0x1C400] =	vst v63  }
0xc3: {  	s0 =	simm.s32 $0x16400  }
0xc4: {  	[tilespmem:s0], [sflag:$0x6] =	stream.indirect_vreg.gather [hbm4b:s2+s3], $0x80, v3, vm0, $0xb8;
	[tilespmem:$0x1C400] =	vst v63  }
0xc5: {  	s29 =	simm.s32 $0x16C00  }
0xc6: {  	[tilespmem:s29], [sflag:$0x6] =	stream.indirect_vreg.gather [hbm4b:s5+s3], $0x80, v3, vm0, $0xb8;
	[tilespmem:$0x1C400] =	vst v63  }
0xc7: {  	s30 =	simm.s32 $0x17400  }
0xc8: {  	[tilespmem:s30], [sflag:$0x6] =	stream.indirect_vreg.gather [hbm4b:s6+s3], $0x80, v3, vm0, $0xb8;
	[tilespmem:$0x1C400] =	vst v63  }
0xc9: {  	s8 =	simm.s32 $0xC0;
	s24 =	simm.s32 $0x0;
	s31 =	simm.s32 $0x17C00  }
0xca: {  	[tilespmem:s31], [sflag:$0x6] =	stream.indirect_vreg.gather [hbm4b:s7+s3], $0x80, v3, vm0, $0xb8;
	[tilespmem:$0x1C400] =	vst v63  }
.LBB2_2:
0xcb: {  	s10 =	simm.s32 $0x2  }
0xcc: {  	_ =	swait.ge [sflag:s10], $0x4000  }
0xcd: {  	s25 =	rddreg [dreg:$0x7]  }
0xce: {  	[sflag:s10] =	ssyncset.done $0x0;
	s25 =	sadd.s32 s24, s25  }
0xcf: {  	s1 =	simm.s32 $0x4400;
	[sflag:s10] =	ssyncadd.s32 $0xFFFFC000;
	s28 =	sadd.s32 $0x800, s25  }
0xd0: {  	[hbm4b:s28+s22] =	stream.strided.scatter [tilespmem:s1], [sflag:$0x9], $0x400, s23, s22, $0x38;
	[tilespmem:$0x1C400] =	vst v63  }
0xd1: {  	s11 =	simm.s32 $0x4800;
	s10 =	sadd.s32 $0x840, s25  }
0xd2: {  	[hbm4b:s10+s22] =	stream.strided.scatter [tilespmem:s11], [sflag:$0x9], $0x400, s23, s22, $0x38;
	[tilespmem:$0x1C400] =	vst v63  }
0xd3: {  	s14 =	simm.s32 $0x4C00;
	s13 =	sadd.s32 $0x880, s25  }
0xd4: {  	[hbm4b:s13+s22] =	stream.strided.scatter [tilespmem:s14], [sflag:$0x9], $0x400, s23, s22, $0x38;
	[tilespmem:$0x1C400] =	vst v63  }
0xd5: {  	s21 =	simm.s32 $0x5000;
	s15 =	sadd.s32 $0x8C0, s25  }
0xd6: {  	[hbm4b:s15+s22] =	stream.strided.scatter [tilespmem:s21], [sflag:$0x9], $0x400, s23, s22, $0x38;
	[tilespmem:$0x1C400] =	vst v63  }
0xd7: {  	s29 =	simm.s32 $0x5400;
	s26 =	sadd.s32 $0x900, s25  }
0xd8: {  	[hbm4b:s26+s22] =	stream.strided.scatter [tilespmem:s29], [sflag:$0x9], $0x400, s23, s22, $0x38;
	[tilespmem:$0x1C400] =	vst v63  }
0xd9: {  	s31 =	simm.s32 $0x5800;
	s30 =	sadd.s32 $0x940, s25  }
0xda: {  	[hbm4b:s30+s22] =	stream.strided.scatter [tilespmem:s31], [sflag:$0x9], $0x400, s23, s22, $0x38;
	[tilespmem:$0x1C400] =	vst v63  }
0xdb: {  	s0 =	sadd.s32 $0x980, s25;
	s1 =	simm.s32 $0x5C00  }
0xdc: {  	[hbm4b:s0+s22] =	stream.strided.scatter [tilespmem:s1], [sflag:$0x9], $0x400, s23, s22, $0x38;
	[tilespmem:$0x1C400] =	vst v63  }
0xdd: {  	s10 =	sadd.s32 $0x9C0, s25;
	s11 =	simm.s32 $0x6000  }
0xde: {  	[hbm4b:s10+s22] =	stream.strided.scatter [tilespmem:s11], [sflag:$0x9], $0x400, s23, s22, $0x38;
	[tilespmem:$0x1C400] =	vst v63  }
0xdf: {  	s13 =	sadd.s32 $0xC00, s25;
	s14 =	simm.s32 $0x6400  }
0xe0: {  	[hbm4b:s13+s22] =	stream.strided.scatter [tilespmem:s14], [sflag:$0x9], $0x400, s23, s22, $0x38;
	[tilespmem:$0x1C400] =	vst v63  }
0xe1: {  	s15 =	sadd.s32 $0xC40, s25;
	s21 =	simm.s32 $0x6800  }
0xe2: {  	[hbm4b:s15+s22] =	stream.strided.scatter [tilespmem:s21], [sflag:$0x9], $0x400, s23, s22, $0x38;
	[tilespmem:$0x1C400] =	vst v63  }
0xe3: {  	s26 =	sadd.s32 $0xC80, s25;
	s29 =	simm.s32 $0x6C00  }
0xe4: {  	[hbm4b:s26+s22] =	stream.strided.scatter [tilespmem:s29], [sflag:$0x9], $0x400, s23, s22, $0x38;
	[tilespmem:$0x1C400] =	vst v63  }
0xe5: {  	s30 =	sadd.s32 $0xCC0, s25;
	s31 =	simm.s32 $0x7000  }
0xe6: {  	[hbm4b:s30+s22] =	stream.strided.scatter [tilespmem:s31], [sflag:$0x9], $0x400, s23, s22, $0x38;
	[tilespmem:$0x1C400] =	vst v63  }
0xe7: {  	s0 =	sadd.s32 $0xD00, s25;
	s1 =	simm.s32 $0x7400  }
0xe8: {  	[hbm4b:s0+s22] =	stream.strided.scatter [tilespmem:s1], [sflag:$0x9], $0x400, s23, s22, $0x38;
	[tilespmem:$0x1C400] =	vst v63  }
0xe9: {  	s11 =	sadd.s32 $0xD40, s25;
	s13 =	simm.s32 $0x7800  }
0xea: {  	[hbm4b:s11+s22] =	stream.strided.scatter [tilespmem:s13], [sflag:$0x9], $0x400, s23, s22, $0x38;
	[tilespmem:$0x1C400] =	vst v63  }
0xeb: {  	p0 =	seq.s32 s24, $0x0;
	s14 =	sadd.s32 $0xD80, s25;
	s15 =	simm.s32 $0x7C00  }
0xec: {  	[hbm4b:s14+s22] =	stream.strided.scatter [tilespmem:s15], [sflag:$0x9], $0x400, s23, s22, $0x38;
	[tilespmem:$0x1C400] =	vst v63  }
0xed: {  	s28 =	simm.s32 @!p0 $0xE;
	s21 =	sadd.s32 $0xDC0, s25;
	s26 =	simm.s32 $0x8000  }
0xee: {  	[hbm4b:s21+s22] =	stream.strided.scatter [tilespmem:s26], [sflag:$0x9], $0x400, s23, s22, $0x38;
	[tilespmem:$0x1C400] =	vst v63  }
0xef: {  	_ =	swait.ge @!p0 [sflag:s28], $0x4000  }
0xf0: {  	[sflag:s28] =	ssyncset.done @!p0 $0x0  }
0xf1: {  	[sflag:s28] =	ssyncadd.s32 @!p0 $0xFFFFC000  }
0xf2: {  	v3 =	vld [tilespmem:s8+$0xFFFFFFA0];
	_ =	sdelay $0x4  }
0xf3: {  	v4 =	vshll.u32 v3, $0x3  }
0xf4: {  	v3 =	vand.u32 $0x7, v3;
	v4 =	vand.u32 $0xFFFFFFC0, v4  }
0xf5: {  	v3 =	vor.u32 v3, v4  }
0xf6: {  	v4 =	vperm.xlane v3, v0;
	_ =	sdelay $0x1  }
0xf7: {  	v4 =	vadd.s32 v1, v4;
	_ =	sdelay $0x4  }
0xf8: {  	[tilespmem:s17], [sflag:$0x7] =	stream.indirect_vreg.gather [hbm4b:s2+s3], $0x80, v4, vm0, $0xb8;
	[tilespmem:$0x1C400] =	vst v63  }
0xf9: {  	v3 =	vperm.xlane v3, v2  }
0xfa: {  	[tilespmem:s18], [sflag:$0x7] =	stream.indirect_vreg.gather [hbm4b:s5+s3], $0x80, v4, vm0, $0xb8;
	[tilespmem:$0x1C400] =	vst v63  }
0xfb: {  	v3 =	vadd.s32 v1, v3  }
0xfc: {  	[tilespmem:s19], [sflag:$0x7] =	stream.indirect_vreg.gather [hbm4b:s6+s3], $0x80, v4, vm0, $0xb8;
	[tilespmem:$0x1C400] =	vst v63  }
0xfd: {  	_ = 	snop  }
0xfe: {  	[tilespmem:s20], [sflag:$0x7] =	stream.indirect_vreg.gather [hbm4b:s7+s3], $0x80, v4, vm0, $0xb8;
	[tilespmem:$0x1C400] =	vst v63  }
0xff: {  	_ = 	snop  }
0x100: {  	[tilespmem:s16], [sflag:$0x7] =	stream.indirect_vreg.gather [hbm4b:s2+s3], $0x80, v3, vm0, $0xb8;
	[tilespmem:$0x1C400] =	vst v63  }
0x101: {  	s1 =	simm.s32 $0x1AC00  }
0x102: {  	[tilespmem:s1], [sflag:$0x7] =	stream.indirect_vreg.gather [hbm4b:s5+s3], $0x80, v3, vm0, $0xb8;
	[tilespmem:$0x1C400] =	vst v63  }
0x103: {  	s0 =	simm.s32 $0x1B400  }
0x104: {  	[tilespmem:s0], [sflag:$0x7] =	stream.indirect_vreg.gather [hbm4b:s6+s3], $0x80, v3, vm0, $0xb8;
	[tilespmem:$0x1C400] =	vst v63  }
0x105: {  	s28 =	simm.s32 $0x3  }
0x106: {  	[tilespmem:s4], [sflag:$0x7] =	stream.indirect_vreg.gather [hbm4b:s7+s3], $0x80, v3, vm0, $0xb8;
	[tilespmem:$0x1C400] =	vst v63  }
0x107: {  	_ =	swait.ge [sflag:s28], $0x4000  }
0x108: {  	[sflag:s28] =	ssyncset.done $0x0;
	s29 =	rddreg [dreg:$0x8]  }
0x109: {  	s30 =	simm.s32 $0x8400;
	[sflag:s28] =	ssyncadd.s32 $0xFFFFC000;
	s28 =	sadd.s32 s24, s29  }
0x10a: {  	[hbm4b:s28+s22] =	stream.strided.scatter [tilespmem:s30], [sflag:$0xA], $0x400, s23, s22, $0x38;
	[tilespmem:$0x1C400] =	vst v63  }
0x10b: {  	s31 =	simm.s32 $0x8800;
	s29 =	sadd.s32 $0x40, s28  }
0x10c: {  	[hbm4b:s29+s22] =	stream.strided.scatter [tilespmem:s31], [sflag:$0xA], $0x400, s23, s22, $0x38;
	[tilespmem:$0x1C400] =	vst v63  }
0x10d: {  	s13 =	simm.s32 $0x8C00;
	s11 =	sadd.s32 $0x80, s28  }
0x10e: {  	[hbm4b:s11+s22] =	stream.strided.scatter [tilespmem:s13], [sflag:$0xA], $0x400, s23, s22, $0x38;
	[tilespmem:$0x1C400] =	vst v63  }
0x10f: {  	s15 =	simm.s32 $0x9000;
	s14 =	sadd.s32 $0xC0, s28  }
0x110: {  	[hbm4b:s14+s22] =	stream.strided.scatter [tilespmem:s15], [sflag:$0xA], $0x400, s23, s22, $0x38;
	[tilespmem:$0x1C400] =	vst v63  }
0x111: {  	s26 =	simm.s32 $0x9400;
	s21 =	sadd.s32 $0x100, s28  }
0x112: {  	[hbm4b:s21+s22] =	stream.strided.scatter [tilespmem:s26], [sflag:$0xA], $0x400, s23, s22, $0x38;
	[tilespmem:$0x1C400] =	vst v63  }
0x113: {  	s30 =	sadd.s32 $0x140, s28;
	s31 =	simm.s32 $0x9800  }
0x114: {  	[hbm4b:s30+s22] =	stream.strided.scatter [tilespmem:s31], [sflag:$0xA], $0x400, s23, s22, $0x38;
	[tilespmem:$0x1C400] =	vst v63  }
0x115: {  	s11 =	sadd.s32 $0x180, s28;
	s13 =	simm.s32 $0x9C00  }
0x116: {  	[hbm4b:s11+s22] =	stream.strided.scatter [tilespmem:s13], [sflag:$0xA], $0x400, s23, s22, $0x38;
	[tilespmem:$0x1C400] =	vst v63  }
0x117: {  	s14 =	sadd.s32 $0x1C0, s28;
	s15 =	simm.s32 $0xA000  }
0x118: {  	[hbm4b:s14+s22] =	stream.strided.scatter [tilespmem:s15], [sflag:$0xA], $0x400, s23, s22, $0x38;
	[tilespmem:$0x1C400] =	vst v63  }
0x119: {  	s21 =	sadd.s32 $0x400, s28;
	s26 =	simm.s32 $0xA400  }
0x11a: {  	[hbm4b:s21+s22] =	stream.strided.scatter [tilespmem:s26], [sflag:$0xA], $0x400, s23, s22, $0x38;
	[tilespmem:$0x1C400] =	vst v63  }
0x11b: {  	s30 =	sadd.s32 $0x440, s28;
	s31 =	simm.s32 $0xA800  }
0x11c: {  	[hbm4b:s30+s22] =	stream.strided.scatter [tilespmem:s31], [sflag:$0xA], $0x400, s23, s22, $0x38;
	[tilespmem:$0x1C400] =	vst v63  }
0x11d: {  	s11 =	sadd.s32 $0x480, s28;
	s13 =	simm.s32 $0xAC00  }
0x11e: {  	[hbm4b:s11+s22] =	stream.strided.scatter [tilespmem:s13], [sflag:$0xA], $0x400, s23, s22, $0x38;
	[tilespmem:$0x1C400] =	vst v63  }
0x11f: {  	s14 =	sadd.s32 $0x4C0, s28;
	s15 =	simm.s32 $0xB000  }
0x120: {  	[hbm4b:s14+s22] =	stream.strided.scatter [tilespmem:s15], [sflag:$0xA], $0x400, s23, s22, $0x38;
	[tilespmem:$0x1C400] =	vst v63  }
0x121: {  	s21 =	sadd.s32 $0x500, s28;
	s26 =	simm.s32 $0xB400  }
0x122: {  	[hbm4b:s21+s22] =	stream.strided.scatter [tilespmem:s26], [sflag:$0xA], $0x400, s23, s22, $0x38;
	[tilespmem:$0x1C400] =	vst v63  }
0x123: {  	s30 =	sadd.s32 $0x540, s28;
	s31 =	simm.s32 $0xB800  }
0x124: {  	[hbm4b:s30+s22] =	stream.strided.scatter [tilespmem:s31], [sflag:$0xA], $0x400, s23, s22, $0x38;
	[tilespmem:$0x1C400] =	vst v63  }
0x125: {  	s10 =	sadd.s32 $0x580, s28;
	s11 =	simm.s32 $0xBC00  }
0x126: {  	[hbm4b:s10+s22] =	stream.strided.scatter [tilespmem:s11], [sflag:$0xA], $0x400, s23, s22, $0x38;
	[tilespmem:$0x1C400] =	vst v63  }
0x127: {  	s28 =	sadd.s32 $0x5C0, s28;
	s13 =	simm.s32 $0xC000;
	s14 =	simm.s32 $0x8  }
0x128: {  	[hbm4b:s28+s22] =	stream.strided.scatter [tilespmem:s13], [sflag:$0xA], $0x400, s23, s22, $0x38;
	[tilespmem:$0x1C400] =	vst v63  }
0x129: {  	_ =	swait.ge [sflag:s14], $0x4000  }
0x12a: {  	[sflag:s14] =	ssyncset.done $0x0  }
0x12b: {  	[sflag:s14] =	ssyncadd.s32 $0xFFFFC000  }
0x12c: {  	v3 =	vld [tilespmem:s8+$0xFFFFFFB0];
	_ =	sdelay $0x4  }
0x12d: {  	v63 =	vshll.u32 v3, $0x3  }
0x12e: {  	v3 =	vand.u32 $0x7, v3;
	v4 =	vand.u32 $0xFFFFFFC0, v63  }
0x12f: {  	v3 =	vor.u32 v3, v4  }
0x130: {  	v4 =	vperm.xlane v3, v0;
	_ =	sdelay $0x1  }
0x131: {  	v4 =	vadd.s32 v1, v4;
	_ =	sdelay $0x3  }
0x132: {  	s30 =	simm.s32 $0x400  }
0x133: {  	[tilespmem:s30], [sflag:$0x1] =	stream.indirect_vreg.gather [hbm4b:s2+s3], $0x80, v4, vm0, $0xb8;
	[tilespmem:$0x1C400] =	vst v63  }
0x134: {  	s31 =	simm.s32 $0xC00;
	v3 =	vperm.xlane v3, v2  }
0x135: {  	[tilespmem:s31], [sflag:$0x1] =	stream.indirect_vreg.gather [hbm4b:s5+s3], $0x80, v4, vm0, $0xb8;
	[tilespmem:$0x1C400] =	vst v63  }
0x136: {  	s10 =	simm.s32 $0x1400;
	v3 =	vadd.s32 v1, v3  }
0x137: {  	[tilespmem:s10], [sflag:$0x1] =	stream.indirect_vreg.gather [hbm4b:s6+s3], $0x80, v4, vm0, $0xb8;
	[tilespmem:$0x1C400] =	vst v63  }
0x138: {  	s11 =	simm.s32 $0x1C00  }
0x139: {  	[tilespmem:s11], [sflag:$0x1] =	stream.indirect_vreg.gather [hbm4b:s7+s3], $0x80, v4, vm0, $0xb8;
	[tilespmem:$0x1C400] =	vst v63  }
0x13a: {  	s13 =	simm.s32 $0x2400  }
0x13b: {  	[tilespmem:s13], [sflag:$0x1] =	stream.indirect_vreg.gather [hbm4b:s2+s3], $0x80, v3, vm0, $0xb8;
	[tilespmem:$0x1C400] =	vst v63  }
0x13c: {  	s14 =	simm.s32 $0x2C00  }
0x13d: {  	[tilespmem:s14], [sflag:$0x1] =	stream.indirect_vreg.gather [hbm4b:s5+s3], $0x80, v3, vm0, $0xb8;
	[tilespmem:$0x1C400] =	vst v63  }
0x13e: {  	s26 =	simm.s32 $0x3400  }
0x13f: {  	[tilespmem:s26], [sflag:$0x1] =	stream.indirect_vreg.gather [hbm4b:s6+s3], $0x80, v3, vm0, $0xb8;
	[tilespmem:$0x1C400] =	vst v63  }
0x140: {  	s15 =	simm.s32 $0x4;
	s21 =	simm.s32 $0x3C00  }
0x141: {  	[tilespmem:s21], [sflag:$0x1] =	stream.indirect_vreg.gather [hbm4b:s7+s3], $0x80, v3, vm0, $0xb8;
	[tilespmem:$0x1C400] =	vst v63  }
0x142: {  	_ =	swait.ge [sflag:s15], $0x4000  }
0x143: {  	[sflag:s15] =	ssyncset.done $0x0  }
0x144: {  	s28 =	sadd.s32 $0x1800, s25;
	[sflag:s15] =	ssyncadd.s32 $0xFFFFC000;
	s15 =	simm.s32 $0xC400  }
0x145: {  	[hbm4b:s28+s22] =	stream.strided.scatter [tilespmem:s15], [sflag:$0xB], $0x400, s23, s22, $0x38;
	[tilespmem:$0x1C400] =	vst v63  }
0x146: {  	s29 =	simm.s32 $0xC800;
	s15 =	sadd.s32 $0x1840, s25  }
0x147: {  	[hbm4b:s15+s22] =	stream.strided.scatter [tilespmem:s29], [sflag:$0xB], $0x400, s23, s22, $0x38;
	[tilespmem:$0x1C400] =	vst v63  }
0x148: {  	s28 =	sadd.s32 $0x1880, s25;
	s15 =	simm.s32 $0xCC00  }
0x149: {  	[hbm4b:s28+s22] =	stream.strided.scatter [tilespmem:s15], [sflag:$0xB], $0x400, s23, s22, $0x38;
	[tilespmem:$0x1C400] =	vst v63  }
0x14a: {  	s29 =	simm.s32 $0xD000;
	s15 =	sadd.s32 $0x18C0, s25  }
0x14b: {  	[hbm4b:s15+s22] =	stream.strided.scatter [tilespmem:s29], [sflag:$0xB], $0x400, s23, s22, $0x38;
	[tilespmem:$0x1C400] =	vst v63  }
0x14c: {  	s28 =	sadd.s32 $0x1900, s25;
	s15 =	simm.s32 $0xD400  }
0x14d: {  	[hbm4b:s28+s22] =	stream.strided.scatter [tilespmem:s15], [sflag:$0xB], $0x400, s23, s22, $0x38;
	[tilespmem:$0x1C400] =	vst v63  }
0x14e: {  	s29 =	simm.s32 $0xD800;
	s15 =	sadd.s32 $0x1940, s25  }
0x14f: {  	[hbm4b:s15+s22] =	stream.strided.scatter [tilespmem:s29], [sflag:$0xB], $0x400, s23, s22, $0x38;
	[tilespmem:$0x1C400] =	vst v63  }
0x150: {  	s28 =	sadd.s32 $0x1980, s25;
	s15 =	simm.s32 $0xDC00  }
0x151: {  	[hbm4b:s28+s22] =	stream.strided.scatter [tilespmem:s15], [sflag:$0xB], $0x400, s23, s22, $0x38;
	[tilespmem:$0x1C400] =	vst v63  }
0x152: {  	s29 =	simm.s32 $0xE000;
	s15 =	sadd.s32 $0x19C0, s25  }
0x153: {  	[hbm4b:s15+s22] =	stream.strided.scatter [tilespmem:s29], [sflag:$0xB], $0x400, s23, s22, $0x38;
	[tilespmem:$0x1C400] =	vst v63  }
0x154: {  	s28 =	sadd.s32 $0x1C00, s25;
	s15 =	simm.s32 $0xE400  }
0x155: {  	[hbm4b:s28+s22] =	stream.strided.scatter [tilespmem:s15], [sflag:$0xB], $0x400, s23, s22, $0x38;
	[tilespmem:$0x1C400] =	vst v63  }
0x156: {  	s29 =	simm.s32 $0xE800;
	s15 =	sadd.s32 $0x1C40, s25  }
0x157: {  	[hbm4b:s15+s22] =	stream.strided.scatter [tilespmem:s29], [sflag:$0xB], $0x400, s23, s22, $0x38;
	[tilespmem:$0x1C400] =	vst v63  }
0x158: {  	s28 =	sadd.s32 $0x1C80, s25;
	s15 =	simm.s32 $0xEC00  }
0x159: {  	[hbm4b:s28+s22] =	stream.strided.scatter [tilespmem:s15], [sflag:$0xB], $0x400, s23, s22, $0x38;
	[tilespmem:$0x1C400] =	vst v63  }
0x15a: {  	s29 =	simm.s32 $0xF000;
	s15 =	sadd.s32 $0x1CC0, s25  }
0x15b: {  	[hbm4b:s15+s22] =	stream.strided.scatter [tilespmem:s29], [sflag:$0xB], $0x400, s23, s22, $0x38;
	[tilespmem:$0x1C400] =	vst v63  }
0x15c: {  	s28 =	sadd.s32 $0x1D00, s25;
	s15 =	simm.s32 $0xF400  }
0x15d: {  	[hbm4b:s28+s22] =	stream.strided.scatter [tilespmem:s15], [sflag:$0xB], $0x400, s23, s22, $0x38;
	[tilespmem:$0x1C400] =	vst v63  }
0x15e: {  	s29 =	simm.s32 $0xF800;
	s15 =	sadd.s32 $0x1D40, s25  }
0x15f: {  	[hbm4b:s15+s22] =	stream.strided.scatter [tilespmem:s29], [sflag:$0xB], $0x400, s23, s22, $0x38;
	[tilespmem:$0x1C400] =	vst v63  }
0x160: {  	s28 =	sadd.s32 $0x1D80, s25;
	s15 =	simm.s32 $0xFC00  }
0x161: {  	[hbm4b:s28+s22] =	stream.strided.scatter [tilespmem:s15], [sflag:$0xB], $0x400, s23, s22, $0x38;
	[tilespmem:$0x1C400] =	vst v63  }
0x162: {  	s29 =	simm.s32 $0x10000;
	s15 =	sadd.s32 $0x1DC0, s25;
	s28 =	simm.s32 $0x9  }
0x163: {  	[hbm4b:s15+s22] =	stream.strided.scatter [tilespmem:s29], [sflag:$0xB], $0x400, s23, s22, $0x38;
	[tilespmem:$0x1C400] =	vst v63  }
0x164: {  	_ =	swait.ge [sflag:s28], $0x4000  }
0x165: {  	[sflag:s28] =	ssyncset.done $0x0  }
0x166: {  	p0 =	seq.s32 s24, $0x1C000;
	[sflag:s28] =	ssyncadd.s32 $0xFFFFC000  }
0x167: {  	v3 =	vld @!p0 [tilespmem:s8+$0xFFFFFFC0];
	_ =	sdelay $0x4  }
0x168: {  	v4 =	vshll.u32 @!p0 v3, $0x3  }
0x169: {  	v5 =	vlaneseq.u32 @!p0;
	v3 =	vand.u32 @!p0 $0x7, v3;
	v4 =	vand.u32 @!p0 $0xFFFFFFC0, v4  }
0x16a: {  	v6 =	vor.u32 @!p0 v3, v4;
	v4 =	vand.u32 @!p0 $0x7, v5;
	v3 =	vshrl.u32 @!p0 v5, $0x3  }
0x16b: {  	v7 =	vperm.xlane @!p0 v6, v4;
	v3 =	vmul.u32 @!p0 $0x8, v3;
	_ =	sdelay $0x1  }
0x16c: {  	v7 =	vadd.s32 @!p0 v3, v7;
	_ =	sdelay $0x3  }
0x16d: {  	vm1 =	vmmov @!p0 $0xffff;
	s29 =	simm.s32 @!p0 $0x4400;
	s28 =	simm.s32 @!p0 $0x0  }
0x16e: {  	v5 =	vor.u32 @!p0 $0x8, v5;
	[tilespmem:s29], [sflag:$0x2] =	stream.indirect_vreg.gather @!p0 [hbm4b:s2+s28], $0x80, v7, vm1, $0xb8;
	[tilespmem:$0x1C400] =	vst v63  }
0x16f: {  	v6 =	vperm.xlane @!p0 v6, v5;
	s29 =	simm.s32 @!p0 $0x4C00  }
0x170: {  	[tilespmem:s29], [sflag:$0x2] =	stream.indirect_vreg.gather @!p0 [hbm4b:s5+s28], $0x80, v7, vm1, $0xb8;
	[tilespmem:$0x1C400] =	vst v63  }
0x171: {  	v6 =	vadd.s32 @!p0 v3, v6;
	s29 =	simm.s32 @!p0 $0x5400  }
0x172: {  	[tilespmem:s29], [sflag:$0x2] =	stream.indirect_vreg.gather @!p0 [hbm4b:s6+s28], $0x80, v7, vm1, $0xb8;
	[tilespmem:$0x1C400] =	vst v63  }
0x173: {  	s29 =	simm.s32 @!p0 $0x5C00  }
0x174: {  	[tilespmem:s29], [sflag:$0x2] =	stream.indirect_vreg.gather @!p0 [hbm4b:s7+s28], $0x80, v7, vm1, $0xb8;
	[tilespmem:$0x1C400] =	vst v63  }
0x175: {  	s29 =	simm.s32 @!p0 $0x6400  }
0x176: {  	[tilespmem:s29], [sflag:$0x2] =	stream.indirect_vreg.gather @!p0 [hbm4b:s2+s28], $0x80, v6, vm1, $0xb8;
	[tilespmem:$0x1C400] =	vst v63  }
0x177: {  	s29 =	simm.s32 @!p0 $0x6C00  }
0x178: {  	[tilespmem:s29], [sflag:$0x2] =	stream.indirect_vreg.gather @!p0 [hbm4b:s5+s28], $0x80, v6, vm1, $0xb8;
	[tilespmem:$0x1C400] =	vst v63  }
0x179: {  	s29 =	simm.s32 @!p0 $0x7400  }
0x17a: {  	[tilespmem:s29], [sflag:$0x2] =	stream.indirect_vreg.gather @!p0 [hbm4b:s6+s28], $0x80, v6, vm1, $0xb8;
	[tilespmem:$0x1C400] =	vst v63  }
0x17b: {  	s29 =	simm.s32 @!p0 $0x7C00  }
0x17c: {  	[tilespmem:s29], [sflag:$0x2] =	stream.indirect_vreg.gather @!p0 [hbm4b:s7+s28], $0x80, v6, vm1, $0xb8;
	[tilespmem:$0x1C400] =	vst v63  }
0x17d: {  	s29 =	simm.s32 $0x5  }
0x17e: {  	_ =	swait.ge [sflag:s29], $0x4000  }
0x17f: {  	[sflag:s29] =	ssyncset.done $0x0  }
0x180: {  	s15 =	simm.s32 $0x10400;
	[sflag:s29] =	ssyncadd.s32 $0xFFFFC000;
	s29 =	sadd.s32 $0x2000, s25  }
0x181: {  	[hbm4b:s29+s22] =	stream.strided.scatter [tilespmem:s15], [sflag:$0xC], $0x400, s23, s22, $0x38;
	[tilespmem:$0x1C400] =	vst v63  }
0x182: {  	s29 =	sadd.s32 $0x2040, s25;
	s15 =	simm.s32 $0x10800  }
0x183: {  	[hbm4b:s29+s22] =	stream.strided.scatter [tilespmem:s15], [sflag:$0xC], $0x400, s23, s22, $0x38;
	[tilespmem:$0x1C400] =	vst v63  }
0x184: {  	s29 =	sadd.s32 $0x2080, s25;
	s15 =	simm.s32 $0x10C00  }
0x185: {  	[hbm4b:s29+s22] =	stream.strided.scatter [tilespmem:s15], [sflag:$0xC], $0x400, s23, s22, $0x38;
	[tilespmem:$0x1C400] =	vst v63  }
0x186: {  	s29 =	sadd.s32 $0x20C0, s25;
	s15 =	simm.s32 $0x11000  }
0x187: {  	[hbm4b:s29+s22] =	stream.strided.scatter [tilespmem:s15], [sflag:$0xC], $0x400, s23, s22, $0x38;
	[tilespmem:$0x1C400] =	vst v63  }
0x188: {  	s29 =	sadd.s32 $0x2100, s25;
	s15 =	simm.s32 $0x11400  }
0x189: {  	[hbm4b:s29+s22] =	stream.strided.scatter [tilespmem:s15], [sflag:$0xC], $0x400, s23, s22, $0x38;
	[tilespmem:$0x1C400] =	vst v63  }
0x18a: {  	s29 =	sadd.s32 $0x2140, s25;
	s15 =	simm.s32 $0x11800  }
0x18b: {  	[hbm4b:s29+s22] =	stream.strided.scatter [tilespmem:s15], [sflag:$0xC], $0x400, s23, s22, $0x38;
	[tilespmem:$0x1C400] =	vst v63  }
0x18c: {  	s29 =	sadd.s32 $0x2180, s25;
	s15 =	simm.s32 $0x11C00  }
0x18d: {  	[hbm4b:s29+s22] =	stream.strided.scatter [tilespmem:s15], [sflag:$0xC], $0x400, s23, s22, $0x38;
	[tilespmem:$0x1C400] =	vst v63  }
0x18e: {  	s29 =	sadd.s32 $0x21C0, s25;
	s15 =	simm.s32 $0x12000  }
0x18f: {  	[hbm4b:s29+s22] =	stream.strided.scatter [tilespmem:s15], [sflag:$0xC], $0x400, s23, s22, $0x38;
	[tilespmem:$0x1C400] =	vst v63  }
0x190: {  	s29 =	sadd.s32 $0x2400, s25;
	s15 =	simm.s32 $0x12400  }
0x191: {  	[hbm4b:s29+s22] =	stream.strided.scatter [tilespmem:s15], [sflag:$0xC], $0x400, s23, s22, $0x38;
	[tilespmem:$0x1C400] =	vst v63  }
0x192: {  	s29 =	sadd.s32 $0x2440, s25;
	s15 =	simm.s32 $0x12800  }
0x193: {  	[hbm4b:s29+s22] =	stream.strided.scatter [tilespmem:s15], [sflag:$0xC], $0x400, s23, s22, $0x38;
	[tilespmem:$0x1C400] =	vst v63  }
0x194: {  	s29 =	sadd.s32 $0x2480, s25;
	s15 =	simm.s32 $0x12C00  }
0x195: {  	[hbm4b:s29+s22] =	stream.strided.scatter [tilespmem:s15], [sflag:$0xC], $0x400, s23, s22, $0x38;
	[tilespmem:$0x1C400] =	vst v63  }
0x196: {  	s29 =	sadd.s32 $0x24C0, s25;
	s15 =	simm.s32 $0x13000  }
0x197: {  	[hbm4b:s29+s22] =	stream.strided.scatter [tilespmem:s15], [sflag:$0xC], $0x400, s23, s22, $0x38;
	[tilespmem:$0x1C400] =	vst v63  }
0x198: {  	s29 =	sadd.s32 $0x2500, s25;
	s15 =	simm.s32 $0x13400  }
0x199: {  	[hbm4b:s29+s22] =	stream.strided.scatter [tilespmem:s15], [sflag:$0xC], $0x400, s23, s22, $0x38;
	[tilespmem:$0x1C400] =	vst v63  }
0x19a: {  	s29 =	sadd.s32 $0x2540, s25;
	s15 =	simm.s32 $0x13800  }
0x19b: {  	[hbm4b:s29+s22] =	stream.strided.scatter [tilespmem:s15], [sflag:$0xC], $0x400, s23, s22, $0x38;
	[tilespmem:$0x1C400] =	vst v63  }
0x19c: {  	s29 =	sadd.s32 $0x2580, s25;
	s15 =	simm.s32 $0x13C00  }
0x19d: {  	[hbm4b:s29+s22] =	stream.strided.scatter [tilespmem:s15], [sflag:$0xC], $0x400, s23, s22, $0x38;
	[tilespmem:$0x1C400] =	vst v63  }
0x19e: {  	s29 =	sadd.s32 $0x25C0, s25;
	s15 =	simm.s32 $0x14000  }
0x19f: {  	[hbm4b:s29+s22] =	stream.strided.scatter [tilespmem:s15], [sflag:$0xC], $0x400, s23, s22, $0x38;
	[tilespmem:$0x1C400] =	vst v63  }
0x1a0: {  	s29 =	simm.s32 $0xA  }
0x1a1: {  	_ =	swait.ge [sflag:s29], $0x4000  }
0x1a2: {  	[sflag:s29] =	ssyncset.done $0x0  }
0x1a3: {  	[sflag:s29] =	ssyncadd.s32 $0xFFFFC000  }
0x1a4: {  	v6 =	vld @!p0 [tilespmem:s8+$0xFFFFFFD0];
	_ =	sdelay $0x4  }
0x1a5: {  	v7 =	vshll.u32 @!p0 v6, $0x3  }
0x1a6: {  	v6 =	vand.u32 @!p0 $0x7, v6;
	v7 =	vand.u32 @!p0 $0xFFFFFFC0, v7  }
0x1a7: {  	v6 =	vor.u32 @!p0 v6, v7  }
0x1a8: {  	v7 =	vperm.xlane @!p0 v6, v4;
	_ =	sdelay $0x1  }
0x1a9: {  	v7 =	vadd.s32 @!p0 v3, v7;
	_ =	sdelay $0x3  }
0x1aa: {  	s29 =	simm.s32 @!p0 $0x8400  }
0x1ab: {  	[tilespmem:s29], [sflag:$0x3] =	stream.indirect_vreg.gather @!p0 [hbm4b:s2+s28], $0x80, v7, vm1, $0xb8;
	[tilespmem:$0x1C400] =	vst v63  }
0x1ac: {  	v6 =	vperm.xlane @!p0 v6, v5;
	s29 =	simm.s32 @!p0 $0x8C00  }
0x1ad: {  	[tilespmem:s29], [sflag:$0x3] =	stream.indirect_vreg.gather @!p0 [hbm4b:s5+s28], $0x80, v7, vm1, $0xb8;
	[tilespmem:$0x1C400] =	vst v63  }
0x1ae: {  	v6 =	vadd.s32 @!p0 v3, v6;
	s29 =	simm.s32 @!p0 $0x9400  }
0x1af: {  	[tilespmem:s29], [sflag:$0x3] =	stream.indirect_vreg.gather @!p0 [hbm4b:s6+s28], $0x80, v7, vm1, $0xb8;
	[tilespmem:$0x1C400] =	vst v63  }
0x1b0: {  	s29 =	simm.s32 @!p0 $0x9C00  }
0x1b1: {  	[tilespmem:s29], [sflag:$0x3] =	stream.indirect_vreg.gather @!p0 [hbm4b:s7+s28], $0x80, v7, vm1, $0xb8;
	[tilespmem:$0x1C400] =	vst v63  }
0x1b2: {  	s29 =	simm.s32 @!p0 $0xA400  }
0x1b3: {  	[tilespmem:s29], [sflag:$0x3] =	stream.indirect_vreg.gather @!p0 [hbm4b:s2+s28], $0x80, v6, vm1, $0xb8;
	[tilespmem:$0x1C400] =	vst v63  }
0x1b4: {  	s29 =	simm.s32 @!p0 $0xAC00  }
0x1b5: {  	[tilespmem:s29], [sflag:$0x3] =	stream.indirect_vreg.gather @!p0 [hbm4b:s5+s28], $0x80, v6, vm1, $0xb8;
	[tilespmem:$0x1C400] =	vst v63  }
0x1b6: {  	s29 =	simm.s32 @!p0 $0xB400  }
0x1b7: {  	[tilespmem:s29], [sflag:$0x3] =	stream.indirect_vreg.gather @!p0 [hbm4b:s6+s28], $0x80, v6, vm1, $0xb8;
	[tilespmem:$0x1C400] =	vst v63  }
0x1b8: {  	s29 =	simm.s32 @!p0 $0xBC00  }
0x1b9: {  	[tilespmem:s29], [sflag:$0x3] =	stream.indirect_vreg.gather @!p0 [hbm4b:s7+s28], $0x80, v6, vm1, $0xb8;
	[tilespmem:$0x1C400] =	vst v63  }
0x1ba: {  	s29 =	simm.s32 $0x6  }
0x1bb: {  	_ =	swait.ge [sflag:s29], $0x4000  }
0x1bc: {  	[sflag:s29] =	ssyncset.done $0x0  }
0x1bd: {  	s15 =	simm.s32 $0x14400;
	[sflag:s29] =	ssyncadd.s32 $0xFFFFC000;
	s29 =	sadd.s32 $0x2800, s25  }
0x1be: {  	[hbm4b:s29+s22] =	stream.strided.scatter [tilespmem:s15], [sflag:$0xD], $0x400, s23, s22, $0x38;
	[tilespmem:$0x1C400] =	vst v63  }
0x1bf: {  	s29 =	sadd.s32 $0x2840, s25;
	s15 =	simm.s32 $0x14800  }
0x1c0: {  	[hbm4b:s29+s22] =	stream.strided.scatter [tilespmem:s15], [sflag:$0xD], $0x400, s23, s22, $0x38;
	[tilespmem:$0x1C400] =	vst v63  }
0x1c1: {  	s29 =	sadd.s32 $0x2880, s25;
	s15 =	simm.s32 $0x14C00  }
0x1c2: {  	[hbm4b:s29+s22] =	stream.strided.scatter [tilespmem:s15], [sflag:$0xD], $0x400, s23, s22, $0x38;
	[tilespmem:$0x1C400] =	vst v63  }
0x1c3: {  	s29 =	sadd.s32 $0x28C0, s25;
	s15 =	simm.s32 $0x15000  }
0x1c4: {  	[hbm4b:s29+s22] =	stream.strided.scatter [tilespmem:s15], [sflag:$0xD], $0x400, s23, s22, $0x38;
	[tilespmem:$0x1C400] =	vst v63  }
0x1c5: {  	s29 =	sadd.s32 $0x2900, s25;
	s15 =	simm.s32 $0x15400  }
0x1c6: {  	[hbm4b:s29+s22] =	stream.strided.scatter [tilespmem:s15], [sflag:$0xD], $0x400, s23, s22, $0x38;
	[tilespmem:$0x1C400] =	vst v63  }
0x1c7: {  	s29 =	sadd.s32 $0x2940, s25;
	s15 =	simm.s32 $0x15800  }
0x1c8: {  	[hbm4b:s29+s22] =	stream.strided.scatter [tilespmem:s15], [sflag:$0xD], $0x400, s23, s22, $0x38;
	[tilespmem:$0x1C400] =	vst v63  }
0x1c9: {  	s29 =	sadd.s32 $0x2980, s25;
	s15 =	simm.s32 $0x15C00  }
0x1ca: {  	[hbm4b:s29+s22] =	stream.strided.scatter [tilespmem:s15], [sflag:$0xD], $0x400, s23, s22, $0x38;
	[tilespmem:$0x1C400] =	vst v63  }
0x1cb: {  	s29 =	sadd.s32 $0x29C0, s25;
	s15 =	simm.s32 $0x16000  }
0x1cc: {  	[hbm4b:s29+s22] =	stream.strided.scatter [tilespmem:s15], [sflag:$0xD], $0x400, s23, s22, $0x38;
	[tilespmem:$0x1C400] =	vst v63  }
0x1cd: {  	s29 =	sadd.s32 $0x2C00, s25;
	s15 =	simm.s32 $0x16400  }
0x1ce: {  	[hbm4b:s29+s22] =	stream.strided.scatter [tilespmem:s15], [sflag:$0xD], $0x400, s23, s22, $0x38;
	[tilespmem:$0x1C400] =	vst v63  }
0x1cf: {  	s29 =	sadd.s32 $0x2C40, s25;
	s15 =	simm.s32 $0x16800  }
0x1d0: {  	[hbm4b:s29+s22] =	stream.strided.scatter [tilespmem:s15], [sflag:$0xD], $0x400, s23, s22, $0x38;
	[tilespmem:$0x1C400] =	vst v63  }
0x1d1: {  	s29 =	sadd.s32 $0x2C80, s25;
	s15 =	simm.s32 $0x16C00  }
0x1d2: {  	[hbm4b:s29+s22] =	stream.strided.scatter [tilespmem:s15], [sflag:$0xD], $0x400, s23, s22, $0x38;
	[tilespmem:$0x1C400] =	vst v63  }
0x1d3: {  	s29 =	sadd.s32 $0x2CC0, s25;
	s15 =	simm.s32 $0x17000  }
0x1d4: {  	[hbm4b:s29+s22] =	stream.strided.scatter [tilespmem:s15], [sflag:$0xD], $0x400, s23, s22, $0x38;
	[tilespmem:$0x1C400] =	vst v63  }
0x1d5: {  	s29 =	sadd.s32 $0x2D00, s25;
	s15 =	simm.s32 $0x17400  }
0x1d6: {  	[hbm4b:s29+s22] =	stream.strided.scatter [tilespmem:s15], [sflag:$0xD], $0x400, s23, s22, $0x38;
	[tilespmem:$0x1C400] =	vst v63  }
0x1d7: {  	s29 =	sadd.s32 $0x2D40, s25;
	s15 =	simm.s32 $0x17800  }
0x1d8: {  	[hbm4b:s29+s22] =	stream.strided.scatter [tilespmem:s15], [sflag:$0xD], $0x400, s23, s22, $0x38;
	[tilespmem:$0x1C400] =	vst v63  }
0x1d9: {  	s29 =	sadd.s32 $0x2D80, s25;
	s15 =	simm.s32 $0x17C00  }
0x1da: {  	[hbm4b:s29+s22] =	stream.strided.scatter [tilespmem:s15], [sflag:$0xD], $0x400, s23, s22, $0x38;
	[tilespmem:$0x1C400] =	vst v63  }
0x1db: {  	s29 =	sadd.s32 $0x2DC0, s25;
	s15 =	simm.s32 $0x18000  }
0x1dc: {  	[hbm4b:s29+s22] =	stream.strided.scatter [tilespmem:s15], [sflag:$0xD], $0x400, s23, s22, $0x38;
	[tilespmem:$0x1C400] =	vst v63  }
0x1dd: {  	s29 =	simm.s32 $0xB  }
0x1de: {  	_ =	swait.ge [sflag:s29], $0x4000  }
0x1df: {  	[sflag:s29] =	ssyncset.done $0x0  }
0x1e0: {  	[sflag:s29] =	ssyncadd.s32 $0xFFFFC000  }
0x1e1: {  	v6 =	vld @!p0 [tilespmem:s8+$0xFFFFFFE0];
	_ =	sdelay $0x4  }
0x1e2: {  	v7 =	vshll.u32 @!p0 v6, $0x3  }
0x1e3: {  	v6 =	vand.u32 @!p0 $0x7, v6;
	v7 =	vand.u32 @!p0 $0xFFFFFFC0, v7  }
0x1e4: {  	v6 =	vor.u32 @!p0 v6, v7  }
0x1e5: {  	v7 =	vperm.xlane @!p0 v6, v4;
	_ =	sdelay $0x1  }
0x1e6: {  	v7 =	vadd.s32 @!p0 v3, v7;
	_ =	sdelay $0x3  }
0x1e7: {  	s29 =	simm.s32 @!p0 $0xC400  }
0x1e8: {  	[tilespmem:s29], [sflag:$0x4] =	stream.indirect_vreg.gather @!p0 [hbm4b:s2+s28], $0x80, v7, vm1, $0xb8;
	[tilespmem:$0x1C400] =	vst v63  }
0x1e9: {  	v6 =	vperm.xlane @!p0 v6, v5;
	s29 =	simm.s32 @!p0 $0xCC00  }
0x1ea: {  	[tilespmem:s29], [sflag:$0x4] =	stream.indirect_vreg.gather @!p0 [hbm4b:s5+s28], $0x80, v7, vm1, $0xb8;
	[tilespmem:$0x1C400] =	vst v63  }
0x1eb: {  	v6 =	vadd.s32 @!p0 v3, v6;
	s29 =	simm.s32 @!p0 $0xD400  }
0x1ec: {  	[tilespmem:s29], [sflag:$0x4] =	stream.indirect_vreg.gather @!p0 [hbm4b:s6+s28], $0x80, v7, vm1, $0xb8;
	[tilespmem:$0x1C400] =	vst v63  }
0x1ed: {  	s29 =	simm.s32 @!p0 $0xDC00  }
0x1ee: {  	[tilespmem:s29], [sflag:$0x4] =	stream.indirect_vreg.gather @!p0 [hbm4b:s7+s28], $0x80, v7, vm1, $0xb8;
	[tilespmem:$0x1C400] =	vst v63  }
0x1ef: {  	s29 =	simm.s32 @!p0 $0xE400  }
0x1f0: {  	[tilespmem:s29], [sflag:$0x4] =	stream.indirect_vreg.gather @!p0 [hbm4b:s2+s28], $0x80, v6, vm1, $0xb8;
	[tilespmem:$0x1C400] =	vst v63  }
0x1f1: {  	s29 =	simm.s32 @!p0 $0xEC00  }
0x1f2: {  	[tilespmem:s29], [sflag:$0x4] =	stream.indirect_vreg.gather @!p0 [hbm4b:s5+s28], $0x80, v6, vm1, $0xb8;
	[tilespmem:$0x1C400] =	vst v63  }
0x1f3: {  	s29 =	simm.s32 @!p0 $0xF400  }
0x1f4: {  	[tilespmem:s29], [sflag:$0x4] =	stream.indirect_vreg.gather @!p0 [hbm4b:s6+s28], $0x80, v6, vm1, $0xb8;
	[tilespmem:$0x1C400] =	vst v63  }
0x1f5: {  	s29 =	simm.s32 @!p0 $0xFC00  }
0x1f6: {  	[tilespmem:s29], [sflag:$0x4] =	stream.indirect_vreg.gather @!p0 [hbm4b:s7+s28], $0x80, v6, vm1, $0xb8;
	[tilespmem:$0x1C400] =	vst v63  }
0x1f7: {  	s29 =	simm.s32 $0x7  }
0x1f8: {  	_ =	swait.ge [sflag:s29], $0x4000  }
0x1f9: {  	[sflag:s29] =	ssyncset.done $0x0  }
0x1fa: {  	s15 =	sadd.s32 $0x3000, s25;
	[sflag:s29] =	ssyncadd.s32 $0xFFFFC000  }
0x1fb: {  	[hbm4b:s15+s22] =	stream.strided.scatter [tilespmem:s17], [sflag:$0xE], $0x400, s23, s22, $0x38;
	[tilespmem:$0x1C400] =	vst v63  }
0x1fc: {  	s29 =	sadd.s32 $0x3040, s25;
	s15 =	simm.s32 $0x18800  }
0x1fd: {  	[hbm4b:s29+s22] =	stream.strided.scatter [tilespmem:s15], [sflag:$0xE], $0x400, s23, s22, $0x38;
	[tilespmem:$0x1C400] =	vst v63  }
0x1fe: {  	s15 =	sadd.s32 $0x3080, s25  }
0x1ff: {  	[hbm4b:s15+s22] =	stream.strided.scatter [tilespmem:s18], [sflag:$0xE], $0x400, s23, s22, $0x38;
	[tilespmem:$0x1C400] =	vst v63  }
0x200: {  	s29 =	sadd.s32 $0x30C0, s25;
	s15 =	simm.s32 $0x19000  }
0x201: {  	[hbm4b:s29+s22] =	stream.strided.scatter [tilespmem:s15], [sflag:$0xE], $0x400, s23, s22, $0x38;
	[tilespmem:$0x1C400] =	vst v63  }
0x202: {  	s15 =	sadd.s32 $0x3100, s25  }
0x203: {  	[hbm4b:s15+s22] =	stream.strided.scatter [tilespmem:s19], [sflag:$0xE], $0x400, s23, s22, $0x38;
	[tilespmem:$0x1C400] =	vst v63  }
0x204: {  	s29 =	sadd.s32 $0x3140, s25;
	s15 =	simm.s32 $0x19800  }
0x205: {  	[hbm4b:s29+s22] =	stream.strided.scatter [tilespmem:s15], [sflag:$0xE], $0x400, s23, s22, $0x38;
	[tilespmem:$0x1C400] =	vst v63  }
0x206: {  	s15 =	sadd.s32 $0x3180, s25  }
0x207: {  	[hbm4b:s15+s22] =	stream.strided.scatter [tilespmem:s20], [sflag:$0xE], $0x400, s23, s22, $0x38;
	[tilespmem:$0x1C400] =	vst v63  }
0x208: {  	s29 =	sadd.s32 $0x31C0, s25;
	s15 =	simm.s32 $0x1A000  }
0x209: {  	[hbm4b:s29+s22] =	stream.strided.scatter [tilespmem:s15], [sflag:$0xE], $0x400, s23, s22, $0x38;
	[tilespmem:$0x1C400] =	vst v63  }
0x20a: {  	s15 =	sadd.s32 $0x3400, s25  }
0x20b: {  	[hbm4b:s15+s22] =	stream.strided.scatter [tilespmem:s16], [sflag:$0xE], $0x400, s23, s22, $0x38;
	[tilespmem:$0x1C400] =	vst v63  }
0x20c: {  	s29 =	sadd.s32 $0x3440, s25;
	s15 =	simm.s32 $0x1A800  }
0x20d: {  	[hbm4b:s29+s22] =	stream.strided.scatter [tilespmem:s15], [sflag:$0xE], $0x400, s23, s22, $0x38;
	[tilespmem:$0x1C400] =	vst v63  }
0x20e: {  	s15 =	sadd.s32 $0x3480, s25  }
0x20f: {  	[hbm4b:s15+s22] =	stream.strided.scatter [tilespmem:s1], [sflag:$0xE], $0x400, s23, s22, $0x38;
	[tilespmem:$0x1C400] =	vst v63  }
0x210: {  	s1 =	sadd.s32 $0x34C0, s25;
	s15 =	simm.s32 $0x1B000  }
0x211: {  	[hbm4b:s1+s22] =	stream.strided.scatter [tilespmem:s15], [sflag:$0xE], $0x400, s23, s22, $0x38;
	[tilespmem:$0x1C400] =	vst v63  }
0x212: {  	s15 =	sadd.s32 $0x3500, s25  }
0x213: {  	[hbm4b:s15+s22] =	stream.strided.scatter [tilespmem:s0], [sflag:$0xE], $0x400, s23, s22, $0x38;
	[tilespmem:$0x1C400] =	vst v63  }
0x214: {  	s1 =	sadd.s32 $0x3540, s25;
	s15 =	simm.s32 $0x1B800  }
0x215: {  	[hbm4b:s1+s22] =	stream.strided.scatter [tilespmem:s15], [sflag:$0xE], $0x400, s23, s22, $0x38;
	[tilespmem:$0x1C400] =	vst v63  }
0x216: {  	s0 =	sadd.s32 $0x3580, s25  }
0x217: {  	[hbm4b:s0+s22] =	stream.strided.scatter [tilespmem:s4], [sflag:$0xE], $0x400, s23, s22, $0x38;
	[tilespmem:$0x1C400] =	vst v63  }
0x218: {  	s1 =	sadd.s32 $0x35C0, s25;
	s15 =	simm.s32 $0x1C000  }
0x219: {  	[hbm4b:s1+s22] =	stream.strided.scatter [tilespmem:s15], [sflag:$0xE], $0x400, s23, s22, $0x38;
	[tilespmem:$0x1C400] =	vst v63  }
0x21a: {  	_ =	swait.ge [sflag:s9], $0x4000  }
0x21b: {  	[sflag:s9] =	ssyncset.done $0x0  }
0x21c: {  	[sflag:s9] =	ssyncadd.s32 $0xFFFFC000  }
0x21d: {  	v6 =	vld @!p0 [tilespmem:s8+$0xFFFFFFF0];
	_ =	sdelay $0x4  }
0x21e: {  	v7 =	vshll.u32 @!p0 v6, $0x3  }
0x21f: {  	v6 =	vand.u32 @!p0 $0x7, v6;
	v7 =	vand.u32 @!p0 $0xFFFFFFC0, v7  }
0x220: {  	v6 =	vor.u32 @!p0 v6, v7  }
0x221: {  	v4 =	vperm.xlane @!p0 v6, v4;
	_ =	sdelay $0x1  }
0x222: {  	v4 =	vadd.s32 @!p0 v3, v4;
	_ =	sdelay $0x3  }
0x223: {  	s29 =	simm.s32 @!p0 $0x10400  }
0x224: {  	[tilespmem:s29], [sflag:$0x5] =	stream.indirect_vreg.gather @!p0 [hbm4b:s2+s28], $0x80, v4, vm1, $0xb8;
	[tilespmem:$0x1C400] =	vst v63  }
0x225: {  	v5 =	vperm.xlane @!p0 v6, v5;
	s29 =	simm.s32 @!p0 $0x10C00  }
0x226: {  	[tilespmem:s29], [sflag:$0x5] =	stream.indirect_vreg.gather @!p0 [hbm4b:s5+s28], $0x80, v4, vm1, $0xb8;
	[tilespmem:$0x1C400] =	vst v63  }
0x227: {  	v3 =	vadd.s32 @!p0 v3, v5;
	s29 =	simm.s32 @!p0 $0x11400  }
0x228: {  	[tilespmem:s29], [sflag:$0x5] =	stream.indirect_vreg.gather @!p0 [hbm4b:s6+s28], $0x80, v4, vm1, $0xb8;
	[tilespmem:$0x1C400] =	vst v63  }
0x229: {  	s29 =	simm.s32 @!p0 $0x11C00  }
0x22a: {  	[tilespmem:s29], [sflag:$0x5] =	stream.indirect_vreg.gather @!p0 [hbm4b:s7+s28], $0x80, v4, vm1, $0xb8;
	[tilespmem:$0x1C400] =	vst v63  }
0x22b: {  	s29 =	simm.s32 @!p0 $0x12400  }
0x22c: {  	[tilespmem:s29], [sflag:$0x5] =	stream.indirect_vreg.gather @!p0 [hbm4b:s2+s28], $0x80, v3, vm1, $0xb8;
	[tilespmem:$0x1C400] =	vst v63  }
0x22d: {  	s29 =	simm.s32 @!p0 $0x12C00  }
0x22e: {  	[tilespmem:s29], [sflag:$0x5] =	stream.indirect_vreg.gather @!p0 [hbm4b:s5+s28], $0x80, v3, vm1, $0xb8;
	[tilespmem:$0x1C400] =	vst v63  }
0x22f: {  	s29 =	simm.s32 @!p0 $0x13400  }
0x230: {  	[tilespmem:s29], [sflag:$0x5] =	stream.indirect_vreg.gather @!p0 [hbm4b:s6+s28], $0x80, v3, vm1, $0xb8;
	[tilespmem:$0x1C400] =	vst v63  }
0x231: {  	s29 =	simm.s32 @!p0 $0x13C00  }
0x232: {  	[tilespmem:s29], [sflag:$0x5] =	stream.indirect_vreg.gather @!p0 [hbm4b:s7+s28], $0x80, v3, vm1, $0xb8;
	[tilespmem:$0x1C400] =	vst v63  }
0x233: {  	s28 =	simm.s32 $0x1  }
0x234: {  	_ =	swait.ge [sflag:s28], $0x4000  }
0x235: {  	[sflag:s28] =	ssyncset.done $0x0  }
0x236: {  	s29 =	sadd.s32 $0x3800, s25;
	[sflag:s28] =	ssyncadd.s32 $0xFFFFC000  }
0x237: {  	[hbm4b:s29+s22] =	stream.strided.scatter [tilespmem:s30], [sflag:$0x8], $0x400, s23, s22, $0x38;
	[tilespmem:$0x1C400] =	vst v63  }
0x238: {  	s0 =	sadd.s32 $0x3840, s25;
	s1 =	simm.s32 $0x800  }
0x239: {  	[hbm4b:s0+s22] =	stream.strided.scatter [tilespmem:s1], [sflag:$0x8], $0x400, s23, s22, $0x38;
	[tilespmem:$0x1C400] =	vst v63  }
0x23a: {  	s29 =	sadd.s32 $0x3880, s25  }
0x23b: {  	[hbm4b:s29+s22] =	stream.strided.scatter [tilespmem:s31], [sflag:$0x8], $0x400, s23, s22, $0x38;
	[tilespmem:$0x1C400] =	vst v63  }
0x23c: {  	s30 =	sadd.s32 $0x38C0, s25  }
0x23d: {  	[hbm4b:s30+s22] =	stream.strided.scatter [tilespmem:s23], [sflag:$0x8], $0x400, s23, s22, $0x38;
	[tilespmem:$0x1C400] =	vst v63  }
0x23e: {  	s31 =	sadd.s32 $0x3900, s25  }
0x23f: {  	[hbm4b:s31+s22] =	stream.strided.scatter [tilespmem:s10], [sflag:$0x8], $0x400, s23, s22, $0x38;
	[tilespmem:$0x1C400] =	vst v63  }
0x240: {  	s0 =	sadd.s32 $0x3940, s25;
	s1 =	simm.s32 $0x1800  }
0x241: {  	[hbm4b:s0+s22] =	stream.strided.scatter [tilespmem:s1], [sflag:$0x8], $0x400, s23, s22, $0x38;
	[tilespmem:$0x1C400] =	vst v63  }
0x242: {  	s15 =	sadd.s32 $0x3980, s25  }
0x243: {  	[hbm4b:s15+s22] =	stream.strided.scatter [tilespmem:s11], [sflag:$0x8], $0x400, s23, s22, $0x38;
	[tilespmem:$0x1C400] =	vst v63  }
0x244: {  	s29 =	sadd.s32 $0x39C0, s25;
	s30 =	simm.s32 $0x2000  }
0x245: {  	[hbm4b:s29+s22] =	stream.strided.scatter [tilespmem:s30], [sflag:$0x8], $0x400, s23, s22, $0x38;
	[tilespmem:$0x1C400] =	vst v63  }
0x246: {  	s31 =	sadd.s32 $0x3C00, s25  }
0x247: {  	[hbm4b:s31+s22] =	stream.strided.scatter [tilespmem:s13], [sflag:$0x8], $0x400, s23, s22, $0x38;
	[tilespmem:$0x1C400] =	vst v63  }
0x248: {  	s0 =	sadd.s32 $0x3C40, s25;
	s1 =	simm.s32 $0x2800  }
0x249: {  	[hbm4b:s0+s22] =	stream.strided.scatter [tilespmem:s1], [sflag:$0x8], $0x400, s23, s22, $0x38;
	[tilespmem:$0x1C400] =	vst v63  }
0x24a: {  	s11 =	sadd.s32 $0x3C80, s25  }
0x24b: {  	[hbm4b:s11+s22] =	stream.strided.scatter [tilespmem:s14], [sflag:$0x8], $0x400, s23, s22, $0x38;
	[tilespmem:$0x1C400] =	vst v63  }
0x24c: {  	s13 =	sadd.s32 $0x3CC0, s25;
	s14 =	simm.s32 $0x3000  }
0x24d: {  	[hbm4b:s13+s22] =	stream.strided.scatter [tilespmem:s14], [sflag:$0x8], $0x400, s23, s22, $0x38;
	[tilespmem:$0x1C400] =	vst v63  }
0x24e: {  	s15 =	sadd.s32 $0x3D00, s25  }
0x24f: {  	[hbm4b:s15+s22] =	stream.strided.scatter [tilespmem:s26], [sflag:$0x8], $0x400, s23, s22, $0x38;
	[tilespmem:$0x1C400] =	vst v63  }
0x250: {  	s29 =	simm.s32 $0x3800;
	s26 =	sadd.s32 $0x3D40, s25  }
0x251: {  	[hbm4b:s26+s22] =	stream.strided.scatter [tilespmem:s29], [sflag:$0x8], $0x400, s23, s22, $0x38;
	[tilespmem:$0x1C400] =	vst v63  }
0x252: {  	s30 =	sadd.s32 $0x3D80, s25  }
0x253: {  	[hbm4b:s30+s22] =	stream.strided.scatter [tilespmem:s21], [sflag:$0x8], $0x400, s23, s22, $0x38;
	[tilespmem:$0x1C400] =	vst v63  }
.Ltmp2:
0x254: {  	s31 =	simm.s32 $0x4000;
	s25 =	sadd.s32 $0x3DC0, s25;
	(pc) =	sbr.rel @p0 .LBB2_4-.Ltmp2, $4  }
0x255: {  	[hbm4b:s25+s22] =	stream.strided.scatter [tilespmem:s31], [sflag:$0x8], $0x400, s23, s22, $0x38;
	[tilespmem:$0x1C400] =	vst v63  }
0x256: {  	_ =	swait.ge [sflag:s12], $0x4000  }
0x257: {  	[sflag:s12] =	ssyncset.done $0x0  }
0x258: {  	[sflag:s12] =	ssyncadd.s32 $0xFFFFC000  }
0x259: {  	v3 =	vld [tilespmem:s8+$0x0];
	_ =	sdelay $0x4  }
0x25a: {  	v4 =	vshll.u32 v3, $0x3  }
0x25b: {  	v3 =	vand.u32 $0x7, v3;
	v4 =	vand.u32 $0xFFFFFFC0, v4  }
0x25c: {  	v3 =	vor.u32 v3, v4  }
0x25d: {  	v4 =	vperm.xlane v3, v0;
	_ =	sdelay $0x1  }
0x25e: {  	v4 =	vadd.s32 v1, v4;
	_ =	sdelay $0x3  }
0x25f: {  	s0 =	simm.s32 $0x14400  }
0x260: {  	[tilespmem:s0], [sflag:$0x6] =	stream.indirect_vreg.gather [hbm4b:s2+s3], $0x80, v4, vm0, $0xb8;
	[tilespmem:$0x1C400] =	vst v63  }
0x261: {  	s21 =	simm.s32 $0x14C00;
	v3 =	vperm.xlane v3, v2  }
0x262: {  	[tilespmem:s21], [sflag:$0x6] =	stream.indirect_vreg.gather [hbm4b:s5+s3], $0x80, v4, vm0, $0xb8;
	[tilespmem:$0x1C400] =	vst v63  }
0x263: {  	s25 =	simm.s32 $0x15400;
	v3 =	vadd.s32 v1, v3  }
0x264: {  	[tilespmem:s25], [sflag:$0x6] =	stream.indirect_vreg.gather [hbm4b:s6+s3], $0x80, v4, vm0, $0xb8;
	[tilespmem:$0x1C400] =	vst v63  }
0x265: {  	s26 =	simm.s32 $0x15C00  }
0x266: {  	[tilespmem:s26], [sflag:$0x6] =	stream.indirect_vreg.gather [hbm4b:s7+s3], $0x80, v4, vm0, $0xb8;
	[tilespmem:$0x1C400] =	vst v63  }
0x267: {  	s28 =	simm.s32 $0x16400  }
0x268: {  	[tilespmem:s28], [sflag:$0x6] =	stream.indirect_vreg.gather [hbm4b:s2+s3], $0x80, v3, vm0, $0xb8;
	[tilespmem:$0x1C400] =	vst v63  }
0x269: {  	s29 =	simm.s32 $0x16C00  }
0x26a: {  	[tilespmem:s29], [sflag:$0x6] =	stream.indirect_vreg.gather [hbm4b:s5+s3], $0x80, v3, vm0, $0xb8;
	[tilespmem:$0x1C400] =	vst v63  }
.Ltmp3:
0x26b: {  	_ = 	snop;
	(pc) =	sbr.rel .LBB2_2-.Ltmp3, $4  }
0x26c: {  	s30 =	simm.s32 $0x17400  }
0x26d: {  	[tilespmem:s30], [sflag:$0x6] =	stream.indirect_vreg.gather [hbm4b:s6+s3], $0x80, v3, vm0, $0xb8;
	[tilespmem:$0x1C400] =	vst v63  }
0x26e: {  	s31 =	simm.s32 $0x17C00;
	s24 =	sadd.s32 $0x3800, s24;
	s8 =	sadd.s32 $0x70, s8  }
0x26f: {  	[tilespmem:s31], [sflag:$0x6] =	stream.indirect_vreg.gather [hbm4b:s7+s3], $0x80, v3, vm0, $0xb8;
	[tilespmem:$0x1C400] =	vst v63  }
.LBB2_5:
0x270: {  	_ =	sfence.sel $0x180000  }
0x271: {  	[bflag:$0x0] =	sbarrier.arrive $0xFFFF  }
0x272: {  	_ =	strace $0x90000047  }
0x273: {  	s0 =	stileid.u32;
	[bflag:$0x2] =	sbarrier.arrive $0xFFFF  }
0x274: {  	p0 =	sne.s32 s0, $0x0;
	s0 =	rddreg [dreg:$0x3]  }
0x275: {  	s0 =	sadd.s32 @!p0 $0x100000, s0  }
0x276: {  	[sflag:s0] =	ssyncadd.tile.s32 @!p0 $0x1;
	_ =	shalt  }
.Lfunc_end2:
_tile_overlayer_lowered:
.L_overlay_start_2:
0x277: {  	(tag) =	ssettag $0x2  }
0x278: {  	s0 =	rddreg [dreg:$0x0];
	s2 =	stileid.u32  }
0x279: {  	s1 =	rddreg [dreg:$0x1];
	p0 =	sne.s32 s2, $0x0  }
0x27a: {  	s3 =	rddreg [dreg:$0x2];
	[bflag:$0x3] =	sbarrier.arrive $0xFFFF;
	s2 =	simm.s32 @!p0 $0x1C0F  }
0x27b: {  	[timem:s3], [sflag:s2] =	dma.local @!p0 [hbm:s0], s1  }
0x27c: {  	s0 =	simm.s32 @!p0 $0xF  }
0x27d: {  	_ =	swait.ge @!p0 [sflag:s0], s1  }
0x27e: {  	s1 =	ssub.s32 @!p0 $0x0, s1;
	[sflag:s0] =	ssyncset.done @!p0 $0x0  }
0x27f: {  	[sflag:s0] =	ssyncadd.s32 @!p0 s1  }
0x280: {  	[bflag:$0x3] =	sbarrier.arrive $0xFFFF  }
0x281: {  	_ =	shalt  }

</sc_bundles>
